<compile_context>
chip_gen: v7x
topology: tpu7x:2x2x1
jax: 0.10.2.dev20260603
libtpu: 0.0.44.dev20260713+nightly
codegen_flags: <defaults>
</compile_context>

<pallas_src>
import jax
import jax.numpy as jnp
from jax import lax
from jax.experimental import pallas as pl
from jax.experimental.pallas import tpu as pltpu
from jax.experimental.pallas import tpu_sc as plsc

POP = 4096
PLEN = 2048
GRID = 1024
NCELL = GRID * GRID

NC = 2
NS = 16
L = 16

ROWS_PER_SC = POP // NC
CHUNK = PLEN // NS
NV = CHUNK // L
XBUF = CHUNK + 8
ZB = ROWS_PER_SC


def _body(xs_hbm, ys_hbm, tp_hbm, out_hbm,
          hist, oacc,
          xs_v, ys_v, ids_v, ones_v, cnts_v, probs_v, ridx_v, rval_v, zb_v,
          gsem):
    cid = lax.axis_index("c")
    sid = lax.axis_index("s")
    zeros16 = jnp.zeros((L,), jnp.float32)
    ones16 = jnp.ones((L,), jnp.float32)
    lane = lax.iota(jnp.int32, L)

    @pl.loop(0, ZB, step=L)
    def _(i):
        zb_v[pl.ds(i, L)] = zeros16

    for i in range(NV):
        ones_v[pl.ds(i * L, L)] = ones16

    hwords = NCELL // NS
    base = sid * hwords

    @pl.loop(0, hwords, step=ZB)
    def _(off):
        pltpu.sync_copy(zb_v, hist.at[pl.ds(base + off, ZB)])

    @pl.when(sid == 0)
    def _():
        pltpu.sync_copy(zb_v, oacc)

    plsc.subcore_barrier()

    @pl.loop(0, ROWS_PER_SC)
    def _(r):
        row = cid * ROWS_PER_SC + r
        start = row * PLEN + sid * CHUNK

        @pl.when(sid < NS - 1)
        def _():
            pltpu.sync_copy(xs_hbm.at[pl.ds(start, XBUF)],
                            xs_v.at[pl.ds(0, XBUF)])
            pltpu.sync_copy(ys_hbm.at[pl.ds(start, XBUF)],
                            ys_v.at[pl.ds(0, XBUF)])

        @pl.when(sid == NS - 1)
        def _():
            pltpu.sync_copy(xs_hbm.at[pl.ds(start, CHUNK)],
                            xs_v.at[pl.ds(0, CHUNK)])
            pltpu.sync_copy(ys_hbm.at[pl.ds(start, CHUNK)],
                            ys_v.at[pl.ds(0, CHUNK)])

        @pl.loop(0, CHUNK, step=L)
        def _(i):
            ids_v[pl.ds(i, L)] = xs_v[pl.ds(i, L)] * GRID + ys_v[pl.ds(i, L)]

        pgather = pltpu.async_copy(tp_hbm.at[ids_v], probs_v, gsem)

        pltpu.sync_copy(ones_v, hist.at[ids_v], add=True)
        plsc.subcore_barrier()

        pltpu.sync_copy(hist.at[ids_v], cnts_v)
        plsc.subcore_barrier()

        pltpu.sync_copy(zb_v.at[pl.ds(0, CHUNK)], hist.at[ids_v])

        pgather.wait()

        acc = jnp.zeros((L,), jnp.float32)
        for i in range(NV):
            o = i * L
            p = probs_v[pl.ds(o, L)]
            c = cnts_v[pl.ds(o, L)]
            rep = jnp.where(c >= 2.0, 1.0 / c, 0.0)
            xc = xs_v[pl.ds(o, L)]
            yc = ys_v[pl.ds(o, L)]
            xn = xs_v[pl.ds(o + 1, L)]
            yn = ys_v[pl.ds(o + 1, L)]
            d = jnp.abs(xn - xc) + jnp.abs(yn - yc)
            cont = jnp.where(d > 1, 0.5, 0.0)
            if i == NV - 1:
                tilefac = jnp.where(sid == NS - 1, 0.0, 1.0)
                cont = cont * jnp.where(lane == L - 1, tilefac, 1.0)
            acc = acc + p - 0.2 * rep - cont

        ridx_v[...] = jnp.full((L,), r, jnp.int32)
        rval_v[...] = acc
        pltpu.sync_copy(rval_v, oacc.at[ridx_v], add=True)
        plsc.subcore_barrier()

    @pl.when(sid == 0)
    def _():
        pltpu.sync_copy(oacc, out_hbm.at[pl.ds(cid * ROWS_PER_SC, ROWS_PER_SC)])


_sc_fitness = pl.kernel(
    _body,
    out_type=jax.ShapeDtypeStruct((POP,), jnp.float32),
    mesh=plsc.VectorSubcoreMesh(
        core_axis_name="c", subcore_axis_name="s",
        num_cores=NC, num_subcores=NS,
    ),
    scratch_types=[
        pltpu.VMEM_SHARED((NCELL,), jnp.float32),
        pltpu.VMEM_SHARED((ROWS_PER_SC,), jnp.float32),
        pltpu.VMEM((XBUF,), jnp.int32),
        pltpu.VMEM((XBUF,), jnp.int32),
        pltpu.VMEM((CHUNK,), jnp.int32),
        pltpu.VMEM((CHUNK,), jnp.float32),
        pltpu.VMEM((CHUNK,), jnp.float32),
        pltpu.VMEM((CHUNK,), jnp.float32),
        pltpu.VMEM((L,), jnp.int32),
        pltpu.VMEM((L,), jnp.float32),
        pltpu.VMEM((ZB,), jnp.float32),
        pltpu.SemaphoreType.DMA,
    ],
)


def kernel(population, target_prob):
    xs = population[:, :, 0].astype(jnp.int32).reshape(POP * PLEN)
    ys = population[:, :, 1].astype(jnp.int32).reshape(POP * PLEN)
    tp = target_prob.reshape(NCELL)
    return _sc_fitness(xs, ys, tp)

# --- scband reference (transcript-rebuilt; emitter-appended) ---
"""Pipeline reference for scband-genetic-path-planner-13314398618135 (READ-ONLY COPY).

The authoritative reference and input builder live on the scoring server;
editing this copy changes nothing except your own understanding.
"""

import jax, jax.numpy as jnp
import numpy as np

POP_SIZE = 4096
PATH_LENGTH = 2048
GRID_SIZE = 1024


def setup_inputs(seed: int = 0) -> dict:
    key = jax.random.key(seed)
    k1, k2 = jax.random.split(key)
    # integer-valued grid coordinates stored as float32, like the torch module's population
    population = jax.random.randint(k1, (POP_SIZE, PATH_LENGTH, 2), 0, GRID_SIZE).astype(jnp.float32)
    target_prob = jax.random.uniform(k2, (GRID_SIZE, GRID_SIZE), dtype=jnp.float32)
    return {"population": population, "target_prob": target_prob}


def reference(population, target_prob):
    # Faithful jax translation of GeneticPathPlanner.evaluate_fitness
    # 1) gather target probabilities at every path point
    pts = population.reshape(-1, 2).astype(jnp.int32)
    probs = target_prob[pts[:, 0], pts[:, 1]].reshape(POP_SIZE, PATH_LENGTH)
    # 2) continuity penalty: consecutive steps whose L1 move exceeds 1
    diff = jnp.abs(population[:, 1:] - population[:, :-1])
    continuity_penalty = (diff.sum(axis=2) > 1).astype(jnp.float32).sum(axis=1) * 0.5
    # 3) repeat penalty: count of distinct cells visited more than once per path
    #    (equivalent to (torch.unique(..., return_counts=True) counts > 1).sum())
    pop_int = population.astype(jnp.int32)
    flat = pop_int[..., 0] * GRID_SIZE + pop_int[..., 1]
    s = jnp.sort(flat, axis=1)
    adj_eq = s[:, 1:] == s[:, :-1]
    run_start = adj_eq & jnp.concatenate(
        [jnp.ones((POP_SIZE, 1), dtype=bool), ~adj_eq[:, :-1]], axis=1
    )
    repeat_penalty = run_start.sum(axis=1).astype(jnp.float32) * 0.2
    return probs.sum(axis=1) - continuity_penalty - repeat_penalty

if __name__ == "__main__":
    import jax
    _d = setup_inputs()
    print(jax.jit(kernel)(*tuple(_d.values())))

</pallas_src>

<mosaic_0001>
#map = affine_map<(d0, d1) -> (0)>
module attributes {stable_mosaic.version = 14 : i64} {
  func.func @_body(%arg0: i32, %arg1: i32, %arg2: memref<8388608xi32, #tpu.memory_space<hbm>>, %arg3: memref<8388608xi32, #tpu.memory_space<hbm>>, %arg4: memref<1048576xf32, #tpu.memory_space<hbm>>, %arg5: memref<4096xf32, #tpu.memory_space<hbm>>, %arg6: memref<1048576xf32, #tpu.memory_space<vmem_shared>>, %arg7: memref<2048xf32, #tpu.memory_space<vmem_shared>>, %arg8: memref<136xi32, #tpu.memory_space<vmem>>, %arg9: memref<136xi32, #tpu.memory_space<vmem>>, %arg10: memref<128xi32, #tpu.memory_space<vmem>>, %arg11: memref<128xf32, #tpu.memory_space<vmem>>, %arg12: memref<128xf32, #tpu.memory_space<vmem>>, %arg13: memref<128xf32, #tpu.memory_space<vmem>>, %arg14: memref<16xi32, #tpu.memory_space<vmem>>, %arg15: memref<16xf32, #tpu.memory_space<vmem>>, %arg16: memref<2048xf32, #tpu.memory_space<vmem>>, %arg17: memref<!tpu.dma_semaphore, #tpu.memory_space<semaphore_mem>>) attributes {dimension_semantics = [#tpu.dimension_semantics<core_parallel>, #tpu.dimension_semantics<subcore_parallel>], iteration_bounds = array<i64: 2, 16>, scalar_prefetch = 0 : i64, scratch_operands = 12 : i64, tpu.core_type = #tpu.core_type<sc_vector_subcore>, window_params = [{transform_indices = #map}, {transform_indices = #map}, {transform_indices = #map}, {transform_indices = #map}]} {
    %broadcast_in_dim3A = arith.constant 0.000000e+00 : f32
    %broadcast_in_dim3A_0 = vector.broadcast %broadcast_in_dim3A : f32 to vector<16xf32>
    %broadcast_in_dim3A_1 = arith.constant 1.000000e+00 : f32
    %broadcast_in_dim3A_2 = vector.broadcast %broadcast_in_dim3A_1 : f32 to vector<16xf32>
    %iota3A = tpu.iota {dimensions = array<i32: 0>} : vector<16xi32>
    %scan3A = arith.constant 0 : i32
    %scan3A_3 = arith.constant 128 : i32
    %scan3A_4 = arith.addi %scan3A, %scan3A_3 : i32
    %scan3A_5 = arith.constant 1 : i32
    scf.for %scan3A_56 = %scan3A to %scan3A_4 step %scan3A_5  : i32 {
      %mul3A_57 = arith.constant 16 : i32
      %mul3A_58 = arith.muli %scan3A_56, %mul3A_57 : i32
      %add3A = arith.constant 0 : i32
      %add3A_59 = arith.addi %add3A, %mul3A_58 : i32
      %swap3A_60 = arith.index_cast %add3A_59 : i32 to index
      %swap3A_61 = tpu.vector_load %arg16[%swap3A_60] {strides = array<i32>} : memref<2048xf32, #tpu.memory_space<vmem>>, vector<16xf32>,
      %swap3A_62 = vector.shape_cast %swap3A_61 : vector<16xf32> to vector<16xf32>
      %swap3A_63 = vector.shape_cast %broadcast_in_dim3A_0 : vector<16xf32> to vector<16xf32>
      tpu.vector_store %arg16[%swap3A_60], %swap3A_63 {strides = array<i32>} : memref<2048xf32, #tpu.memory_space<vmem>>, vector<16xf32>,
    }
    %scan3A_6 = arith.constant 128 : i32
    %swap3A = arith.constant 0 : index
    %swap3A_7 = tpu.vector_load %arg11[%swap3A] {strides = array<i32>} : memref<128xf32, #tpu.memory_space<vmem>>, vector<16xf32>,
    %swap3A_8 = vector.shape_cast %swap3A_7 : vector<16xf32> to vector<16xf32>
    %swap3A_9 = vector.shape_cast %broadcast_in_dim3A_2 : vector<16xf32> to vector<16xf32>
    tpu.vector_store %arg11[%swap3A], %swap3A_9 {strides = array<i32>} : memref<128xf32, #tpu.memory_space<vmem>>, vector<16xf32>,
    %swap3A_10 = arith.constant 16 : index
    %swap3A_11 = tpu.vector_load %arg11[%swap3A_10] {strides = array<i32>} : memref<128xf32, #tpu.memory_space<vmem>>, vector<16xf32>,
    %swap3A_12 = vector.shape_cast %swap3A_11 : vector<16xf32> to vector<16xf32>
    %swap3A_13 = vector.shape_cast %broadcast_in_dim3A_2 : vector<16xf32> to vector<16xf32>
    tpu.vector_store %arg11[%swap3A_10], %swap3A_13 {strides = array<i32>} : memref<128xf32, #tpu.memory_space<vmem>>, vector<16xf32>,
    %swap3A_14 = arith.constant 32 : index
    %swap3A_15 = tpu.vector_load %arg11[%swap3A_14] {strides = array<i32>} : memref<128xf32, #tpu.memory_space<vmem>>, vector<16xf32>,
    %swap3A_16 = vector.shape_cast %swap3A_15 : vector<16xf32> to vector<16xf32>
    %swap3A_17 = vector.shape_cast %broadcast_in_dim3A_2 : vector<16xf32> to vector<16xf32>
    tpu.vector_store %arg11[%swap3A_14], %swap3A_17 {strides = array<i32>} : memref<128xf32, #tpu.memory_space<vmem>>, vector<16xf32>,
    %swap3A_18 = arith.constant 48 : index
    %swap3A_19 = tpu.vector_load %arg11[%swap3A_18] {strides = array<i32>} : memref<128xf32, #tpu.memory_space<vmem>>, vector<16xf32>,
    %swap3A_20 = vector.shape_cast %swap3A_19 : vector<16xf32> to vector<16xf32>
    %swap3A_21 = vector.shape_cast %broadcast_in_dim3A_2 : vector<16xf32> to vector<16xf32>
    tpu.vector_store %arg11[%swap3A_18], %swap3A_21 {strides = array<i32>} : memref<128xf32, #tpu.memory_space<vmem>>, vector<16xf32>,
    %swap3A_22 = arith.constant 64 : index
    %swap3A_23 = tpu.vector_load %arg11[%swap3A_22] {strides = array<i32>} : memref<128xf32, #tpu.memory_space<vmem>>, vector<16xf32>,
    %swap3A_24 = vector.shape_cast %swap3A_23 : vector<16xf32> to vector<16xf32>
    %swap3A_25 = vector.shape_cast %broadcast_in_dim3A_2 : vector<16xf32> to vector<16xf32>
    tpu.vector_store %arg11[%swap3A_22], %swap3A_25 {strides = array<i32>} : memref<128xf32, #tpu.memory_space<vmem>>, vector<16xf32>,
    %swap3A_26 = arith.constant 80 : index
    %swap3A_27 = tpu.vector_load %arg11[%swap3A_26] {strides = array<i32>} : memref<128xf32, #tpu.memory_space<vmem>>, vector<16xf32>,
    %swap3A_28 = vector.shape_cast %swap3A_27 : vector<16xf32> to vector<16xf32>
    %swap3A_29 = vector.shape_cast %broadcast_in_dim3A_2 : vector<16xf32> to vector<16xf32>
    tpu.vector_store %arg11[%swap3A_26], %swap3A_29 {strides = array<i32>} : memref<128xf32, #tpu.memory_space<vmem>>, vector<16xf32>,
    %swap3A_30 = arith.constant 96 : index
    %swap3A_31 = tpu.vector_load %arg11[%swap3A_30] {strides = array<i32>} : memref<128xf32, #tpu.memory_space<vmem>>, vector<16xf32>,
    %swap3A_32 = vector.shape_cast %swap3A_31 : vector<16xf32> to vector<16xf32>
    %swap3A_33 = vector.shape_cast %broadcast_in_dim3A_2 : vector<16xf32> to vector<16xf32>
    tpu.vector_store %arg11[%swap3A_30], %swap3A_33 {strides = array<i32>} : memref<128xf32, #tpu.memory_space<vmem>>, vector<16xf32>,
    %swap3A_34 = arith.constant 112 : index
    %swap3A_35 = tpu.vector_load %arg11[%swap3A_34] {strides = array<i32>} : memref<128xf32, #tpu.memory_space<vmem>>, vector<16xf32>,
    %swap3A_36 = vector.shape_cast %swap3A_35 : vector<16xf32> to vector<16xf32>
    %swap3A_37 = vector.shape_cast %broadcast_in_dim3A_2 : vector<16xf32> to vector<16xf32>
    tpu.vector_store %arg11[%swap3A_34], %swap3A_37 {strides = array<i32>} : memref<128xf32, #tpu.memory_space<vmem>>, vector<16xf32>,
    %mul3A = arith.constant 65536 : i32
    %mul3A_38 = arith.muli %arg1, %mul3A : i32
    %scan3A_39 = arith.constant 0 : i32
    %scan3A_40 = arith.constant 32 : i32
    %scan3A_41 = arith.addi %scan3A_39, %scan3A_40 : i32
    %scan3A_42 = arith.constant 1 : i32
    scf.for %scan3A_56 = %scan3A_39 to %scan3A_41 step %scan3A_42  : i32 {
      %mul3A_57 = arith.constant 2048 : i32
      %mul3A_58 = arith.muli %scan3A_56, %mul3A_57 : i32
      %add3A = arith.constant 0 : i32
      %add3A_59 = arith.addi %add3A, %mul3A_58 : i32
      %add3A_60 = arith.addi %mul3A_38, %add3A_59 : i32
      "tpu.region"() ({
        %run_scoped3A = tpu.sem_alloc : memref<!tpu.dma_semaphore, #tpu.memory_space<semaphore_mem>>
        %dma_start3A = tpu.memref_slice %arg6[%add3A_60] : memref<1048576xf32, #tpu.memory_space<vmem_shared>> -> memref<2048xf32, #tpu.memory_space<vmem_shared>>
        %dma_start3A_61 = tpu.memref_slice %arg6[%add3A_60] : memref<1048576xf32, #tpu.memory_space<vmem_shared>> -> memref<2048xf32, #tpu.memory_space<vmem_shared>>
        tpu.enqueue_dma source(%arg16 : memref<2048xf32, #tpu.memory_space<vmem>>) target(%dma_start3A_61 : memref<2048xf32, #tpu.memory_space<vmem_shared>>) target_semaphore(%run_scoped3A : memref<!tpu.dma_semaphore, #tpu.memory_space<semaphore_mem>>)
        %dma_wait3A = tpu.memref_slice %arg6[%add3A_60] : memref<1048576xf32, #tpu.memory_space<vmem_shared>> -> memref<2048xf32, #tpu.memory_space<vmem_shared>>
        %dma_wait3A_62 = tpu.memref_slice %arg6[%add3A_60] : memref<1048576xf32, #tpu.memory_space<vmem_shared>> -> memref<2048xf32, #tpu.memory_space<vmem_shared>>
        tpu.wait_dma2 semaphore(%run_scoped3A : memref<!tpu.dma_semaphore, #tpu.memory_space<semaphore_mem>>) src(%arg16 : memref<2048xf32, #tpu.memory_space<vmem>>) dst(%dma_wait3A_62 : memref<2048xf32, #tpu.memory_space<vmem_shared>>)
        tpu.yield
      }) : () -> ()
    }
    %scan3A_43 = arith.constant 32 : i32
    %eq3A = arith.constant 0 : i32
    %eq3A_44 = arith.cmpi eq, %arg1, %eq3A : i32
    %convert_element_type3A = arith.extui %eq3A_44 : i1 to i32
    %cond3A = arith.constant 0 : i32
    %cond3A_45 = arith.cmpi ne, %convert_element_type3A, %cond3A : i32
    scf.if %cond3A_45 {
      "tpu.region"() ({
        %run_scoped3A = tpu.sem_alloc : memref<!tpu.dma_semaphore, #tpu.memory_space<semaphore_mem>>
        tpu.enqueue_dma source(%arg16 : memref<2048xf32, #tpu.memory_space<vmem>>) target(%arg7 : memref<2048xf32, #tpu.memory_space<vmem_shared>>) target_semaphore(%run_scoped3A : memref<!tpu.dma_semaphore, #tpu.memory_space<semaphore_mem>>)
        tpu.wait_dma2 semaphore(%run_scoped3A : memref<!tpu.dma_semaphore, #tpu.memory_space<semaphore_mem>>) src(%arg16 : memref<2048xf32, #tpu.memory_space<vmem>>) dst(%arg7 : memref<2048xf32, #tpu.memory_space<vmem_shared>>)
        tpu.yield
      }) : () -> ()
    } else {
    }
    %barrier3A = arith.constant 0 : index
    tpu.barrier barrier_id(%barrier3A)
    %scan3A_46 = arith.constant 0 : i32
    %scan3A_47 = arith.constant 2048 : i32
    %scan3A_48 = arith.addi %scan3A_46, %scan3A_47 : i32
    %scan3A_49 = arith.constant 1 : i32
    scf.for %scan3A_56 = %scan3A_46 to %scan3A_48 step %scan3A_49  : i32 {
      %mul3A_57 = arith.constant 1 : i32
      %mul3A_58 = arith.muli %scan3A_56, %mul3A_57 : i32
      %add3A = arith.constant 0 : i32
      %add3A_59 = arith.addi %add3A, %mul3A_58 : i32
      %mul3A_60 = arith.constant 2048 : i32
      %mul3A_61 = arith.muli %arg0, %mul3A_60 : i32
      %add3A_62 = arith.addi %mul3A_61, %add3A_59 : i32
      %mul3A_63 = arith.constant 2048 : i32
      %mul3A_64 = arith.muli %add3A_62, %mul3A_63 : i32
      %mul3A_65 = arith.constant 128 : i32
      %mul3A_66 = arith.muli %arg1, %mul3A_65 : i32
      %add3A_67 = arith.addi %mul3A_64, %mul3A_66 : i32
      %lt3A = arith.constant 15 : i32
      %lt3A_68 = arith.cmpi slt, %arg1, %lt3A : i32
      %convert_element_type3A_69 = arith.extui %lt3A_68 : i1 to i32
      %cond3A_70 = arith.constant 0 : i32
      %cond3A_71 = arith.cmpi ne, %convert_element_type3A_69, %cond3A_70 : i32
      scf.if %cond3A_71 {
        "tpu.region"() ({
          %run_scoped3A = tpu.sem_alloc : memref<!tpu.dma_semaphore, #tpu.memory_space<semaphore_mem>>
          %dma_start3A_471 = arith.constant 0 : i32
          %dma_start3A_472 = tpu.memref_slice %arg8[%dma_start3A_471] : memref<136xi32, #tpu.memory_space<vmem>> -> memref<136xi32, #tpu.memory_space<vmem>>
          %dma_start3A_473 = tpu.memref_slice %arg2[%add3A_67] : memref<8388608xi32, #tpu.memory_space<hbm>> -> memref<136xi32, #tpu.memory_space<hbm>>
          %dma_start3A_474 = arith.constant 0 : i32
          %dma_start3A_475 = tpu.memref_slice %arg8[%dma_start3A_474] : memref<136xi32, #tpu.memory_space<vmem>> -> memref<136xi32, #tpu.memory_space<vmem>>
          %dma_start3A_476 = tpu.memref_slice %arg2[%add3A_67] : memref<8388608xi32, #tpu.memory_space<hbm>> -> memref<136xi32, #tpu.memory_space<hbm>>
          tpu.enqueue_dma source(%dma_start3A_476 : memref<136xi32, #tpu.memory_space<hbm>>) target(%dma_start3A_475 : memref<136xi32, #tpu.memory_space<vmem>>) target_semaphore(%run_scoped3A : memref<!tpu.dma_semaphore, #tpu.memory_space<semaphore_mem>>)
          %dma_wait3A_477 = arith.constant 0 : i32
          %dma_wait3A_478 = tpu.memref_slice %arg8[%dma_wait3A_477] : memref<136xi32, #tpu.memory_space<vmem>> -> memref<136xi32, #tpu.memory_space<vmem>>
          %dma_wait3A_479 = tpu.memref_slice %arg2[%add3A_67] : memref<8388608xi32, #tpu.memory_space<hbm>> -> memref<136xi32, #tpu.memory_space<hbm>>
          %dma_wait3A_480 = arith.constant 0 : i32
          %dma_wait3A_481 = tpu.memref_slice %arg8[%dma_wait3A_480] : memref<136xi32, #tpu.memory_space<vmem>> -> memref<136xi32, #tpu.memory_space<vmem>>
          %dma_wait3A_482 = tpu.memref_slice %arg2[%add3A_67] : memref<8388608xi32, #tpu.memory_space<hbm>> -> memref<136xi32, #tpu.memory_space<hbm>>
          tpu.wait_dma2 semaphore(%run_scoped3A : memref<!tpu.dma_semaphore, #tpu.memory_space<semaphore_mem>>) src(%dma_wait3A_482 : memref<136xi32, #tpu.memory_space<hbm>>) dst(%dma_wait3A_481 : memref<136xi32, #tpu.memory_space<vmem>>)
          tpu.yield
        }) : () -> ()
        "tpu.region"() ({
          %run_scoped3A = tpu.sem_alloc : memref<!tpu.dma_semaphore, #tpu.memory_space<semaphore_mem>>
          %dma_start3A_471 = arith.constant 0 : i32
          %dma_start3A_472 = tpu.memref_slice %arg9[%dma_start3A_471] : memref<136xi32, #tpu.memory_space<vmem>> -> memref<136xi32, #tpu.memory_space<vmem>>
          %dma_start3A_473 = tpu.memref_slice %arg3[%add3A_67] : memref<8388608xi32, #tpu.memory_space<hbm>> -> memref<136xi32, #tpu.memory_space<hbm>>
          %dma_start3A_474 = arith.constant 0 : i32
          %dma_start3A_475 = tpu.memref_slice %arg9[%dma_start3A_474] : memref<136xi32, #tpu.memory_space<vmem>> -> memref<136xi32, #tpu.memory_space<vmem>>
          %dma_start3A_476 = tpu.memref_slice %arg3[%add3A_67] : memref<8388608xi32, #tpu.memory_space<hbm>> -> memref<136xi32, #tpu.memory_space<hbm>>
          tpu.enqueue_dma source(%dma_start3A_476 : memref<136xi32, #tpu.memory_space<hbm>>) target(%dma_start3A_475 : memref<136xi32, #tpu.memory_space<vmem>>) target_semaphore(%run_scoped3A : memref<!tpu.dma_semaphore, #tpu.memory_space<semaphore_mem>>)
          %dma_wait3A_477 = arith.constant 0 : i32
          %dma_wait3A_478 = tpu.memref_slice %arg9[%dma_wait3A_477] : memref<136xi32, #tpu.memory_space<vmem>> -> memref<136xi32, #tpu.memory_space<vmem>>
          %dma_wait3A_479 = tpu.memref_slice %arg3[%add3A_67] : memref<8388608xi32, #tpu.memory_space<hbm>> -> memref<136xi32, #tpu.memory_space<hbm>>
          %dma_wait3A_480 = arith.constant 0 : i32
          %dma_wait3A_481 = tpu.memref_slice %arg9[%dma_wait3A_480] : memref<136xi32, #tpu.memory_space<vmem>> -> memref<136xi32, #tpu.memory_space<vmem>>
          %dma_wait3A_482 = tpu.memref_slice %arg3[%add3A_67] : memref<8388608xi32, #tpu.memory_space<hbm>> -> memref<136xi32, #tpu.memory_space<hbm>>
          tpu.wait_dma2 semaphore(%run_scoped3A : memref<!tpu.dma_semaphore, #tpu.memory_space<semaphore_mem>>) src(%dma_wait3A_482 : memref<136xi32, #tpu.memory_space<hbm>>) dst(%dma_wait3A_481 : memref<136xi32, #tpu.memory_space<vmem>>)
          tpu.yield
        }) : () -> ()
      } else {
      }
      %eq3A_72 = arith.constant 15 : i32
      %eq3A_73 = arith.cmpi eq, %arg1, %eq3A_72 : i32
      %convert_element_type3A_74 = arith.extui %eq3A_73 : i1 to i32
      %cond3A_75 = arith.constant 0 : i32
      %cond3A_76 = arith.cmpi ne, %convert_element_type3A_74, %cond3A_75 : i32
      scf.if %cond3A_76 {
        "tpu.region"() ({
          %run_scoped3A = tpu.sem_alloc : memref<!tpu.dma_semaphore, #tpu.memory_space<semaphore_mem>>
          %dma_start3A_471 = arith.constant 0 : i32
          %dma_start3A_472 = tpu.memref_slice %arg8[%dma_start3A_471] : memref<136xi32, #tpu.memory_space<vmem>> -> memref<128xi32, #tpu.memory_space<vmem>>
          %dma_start3A_473 = tpu.memref_slice %arg2[%add3A_67] : memref<8388608xi32, #tpu.memory_space<hbm>> -> memref<128xi32, #tpu.memory_space<hbm>>
          %dma_start3A_474 = arith.constant 0 : i32
          %dma_start3A_475 = tpu.memref_slice %arg8[%dma_start3A_474] : memref<136xi32, #tpu.memory_space<vmem>> -> memref<128xi32, #tpu.memory_space<vmem>>
          %dma_start3A_476 = tpu.memref_slice %arg2[%add3A_67] : memref<8388608xi32, #tpu.memory_space<hbm>> -> memref<128xi32, #tpu.memory_space<hbm>>
          tpu.enqueue_dma source(%dma_start3A_476 : memref<128xi32, #tpu.memory_space<hbm>>) target(%dma_start3A_475 : memref<128xi32, #tpu.memory_space<vmem>>) target_semaphore(%run_scoped3A : memref<!tpu.dma_semaphore, #tpu.memory_space<semaphore_mem>>)
          %dma_wait3A_477 = arith.constant 0 : i32
          %dma_wait3A_478 = tpu.memref_slice %arg8[%dma_wait3A_477] : memref<136xi32, #tpu.memory_space<vmem>> -> memref<128xi32, #tpu.memory_space<vmem>>
          %dma_wait3A_479 = tpu.memref_slice %arg2[%add3A_67] : memref<8388608xi32, #tpu.memory_space<hbm>> -> memref<128xi32, #tpu.memory_space<hbm>>
          %dma_wait3A_480 = arith.constant 0 : i32
          %dma_wait3A_481 = tpu.memref_slice %arg8[%dma_wait3A_480] : memref<136xi32, #tpu.memory_space<vmem>> -> memref<128xi32, #tpu.memory_space<vmem>>
          %dma_wait3A_482 = tpu.memref_slice %arg2[%add3A_67] : memref<8388608xi32, #tpu.memory_space<hbm>> -> memref<128xi32, #tpu.memory_space<hbm>>
          tpu.wait_dma2 semaphore(%run_scoped3A : memref<!tpu.dma_semaphore, #tpu.memory_space<semaphore_mem>>) src(%dma_wait3A_482 : memref<128xi32, #tpu.memory_space<hbm>>) dst(%dma_wait3A_481 : memref<128xi32, #tpu.memory_space<vmem>>)
          tpu.yield
        }) : () -> ()
        "tpu.region"() ({
          %run_scoped3A = tpu.sem_alloc : memref<!tpu.dma_semaphore, #tpu.memory_space<semaphore_mem>>
          %dma_start3A_471 = arith.constant 0 : i32
          %dma_start3A_472 = tpu.memref_slice %arg9[%dma_start3A_471] : memref<136xi32, #tpu.memory_space<vmem>> -> memref<128xi32, #tpu.memory_space<vmem>>
          %dma_start3A_473 = tpu.memref_slice %arg3[%add3A_67] : memref<8388608xi32, #tpu.memory_space<hbm>> -> memref<128xi32, #tpu.memory_space<hbm>>
          %dma_start3A_474 = arith.constant 0 : i32
          %dma_start3A_475 = tpu.memref_slice %arg9[%dma_start3A_474] : memref<136xi32, #tpu.memory_space<vmem>> -> memref<128xi32, #tpu.memory_space<vmem>>
          %dma_start3A_476 = tpu.memref_slice %arg3[%add3A_67] : memref<8388608xi32, #tpu.memory_space<hbm>> -> memref<128xi32, #tpu.memory_space<hbm>>
          tpu.enqueue_dma source(%dma_start3A_476 : memref<128xi32, #tpu.memory_space<hbm>>) target(%dma_start3A_475 : memref<128xi32, #tpu.memory_space<vmem>>) target_semaphore(%run_scoped3A : memref<!tpu.dma_semaphore, #tpu.memory_space<semaphore_mem>>)
          %dma_wait3A_477 = arith.constant 0 : i32
          %dma_wait3A_478 = tpu.memref_slice %arg9[%dma_wait3A_477] : memref<136xi32, #tpu.memory_space<vmem>> -> memref<128xi32, #tpu.memory_space<vmem>>
          %dma_wait3A_479 = tpu.memref_slice %arg3[%add3A_67] : memref<8388608xi32, #tpu.memory_space<hbm>> -> memref<128xi32, #tpu.memory_space<hbm>>
          %dma_wait3A_480 = arith.constant 0 : i32
          %dma_wait3A_481 = tpu.memref_slice %arg9[%dma_wait3A_480] : memref<136xi32, #tpu.memory_space<vmem>> -> memref<128xi32, #tpu.memory_space<vmem>>
          %dma_wait3A_482 = tpu.memref_slice %arg3[%add3A_67] : memref<8388608xi32, #tpu.memory_space<hbm>> -> memref<128xi32, #tpu.memory_space<hbm>>
          tpu.wait_dma2 semaphore(%run_scoped3A : memref<!tpu.dma_semaphore, #tpu.memory_space<semaphore_mem>>) src(%dma_wait3A_482 : memref<128xi32, #tpu.memory_space<hbm>>) dst(%dma_wait3A_481 : memref<128xi32, #tpu.memory_space<vmem>>)
          tpu.yield
        }) : () -> ()
      } else {
      }
      %scan3A_77 = arith.constant 0 : i32
      %scan3A_78 = arith.constant 8 : i32
      %scan3A_79 = arith.addi %scan3A_77, %scan3A_78 : i32
      %scan3A_80 = arith.constant 1 : i32
      scf.for %scan3A_471 = %scan3A_77 to %scan3A_79 step %scan3A_80  : i32 {
        %mul3A_472 = arith.constant 16 : i32
        %mul3A_473 = arith.muli %scan3A_471, %mul3A_472 : i32
        %add3A_474 = arith.constant 0 : i32
        %add3A_475 = arith.addi %add3A_474, %mul3A_473 : i32
        %get3A_476 = arith.index_cast %add3A_475 : i32 to index
        %get3A_477 = tpu.vector_load %arg8[%get3A_476] {strides = array<i32>} : memref<136xi32, #tpu.memory_space<vmem>>, vector<16xi32>,
        %get3A_478 = vector.shape_cast %get3A_477 : vector<16xi32> to vector<16xi32>
        %mul3A_479 = arith.constant 1024 : i32
        %mul3A_480 = vector.broadcast %mul3A_479 : i32 to vector<16xi32>
        %mul3A_481 = arith.muli %get3A_478, %mul3A_480 : vector<16xi32>
        %get3A_482 = arith.index_cast %add3A_475 : i32 to index
        %get3A_483 = tpu.vector_load %arg9[%get3A_482] {strides = array<i32>} : memref<136xi32, #tpu.memory_space<vmem>>, vector<16xi32>,
        %get3A_484 = vector.shape_cast %get3A_483 : vector<16xi32> to vector<16xi32>
        %add3A_485 = arith.addi %mul3A_481, %get3A_484 : vector<16xi32>
        %swap3A_486 = arith.index_cast %add3A_475 : i32 to index
        %swap3A_487 = tpu.vector_load %arg10[%swap3A_486] {strides = array<i32>} : memref<128xi32, #tpu.memory_space<vmem>>, vector<16xi32>,
        %swap3A_488 = vector.shape_cast %swap3A_487 : vector<16xi32> to vector<16xi32>
        %swap3A_489 = vector.shape_cast %add3A_485 : vector<16xi32> to vector<16xi32>
        tpu.vector_store %arg10[%swap3A_486], %swap3A_489 {strides = array<i32>} : memref<128xi32, #tpu.memory_space<vmem>>, vector<16xi32>,
      }
      %scan3A_81 = arith.constant 8 : i32
      %dma_start3A = arith.constant 0 : i32
      %dma_start3A_82 = tpu.memref_slice %arg4[%dma_start3A] : memref<1048576xf32, #tpu.memory_space<hbm>> -> memref<1048576xf32, #tpu.memory_space<hbm>>
      tpu.enqueue_indirect_dma source(%dma_start3A_82 : memref<1048576xf32, #tpu.memory_space<hbm>>) target(%arg13 : memref<128xf32, #tpu.memory_space<vmem>>) offsets(%arg10 : memref<128xi32, #tpu.memory_space<vmem>>) semaphore(%arg17 : memref<!tpu.dma_semaphore, #tpu.memory_space<semaphore_mem>>)
      "tpu.region"() ({
        %run_scoped3A = tpu.sem_alloc : memref<!tpu.dma_semaphore, #tpu.memory_space<semaphore_mem>>
        %dma_start3A_471 = arith.constant 0 : i32
        %dma_start3A_472 = tpu.memref_slice %arg6[%dma_start3A_471] : memref<1048576xf32, #tpu.memory_space<vmem_shared>> -> memref<1048576xf32, #tpu.memory_space<vmem_shared>>
        tpu.enqueue_indirect_dma source(%arg11 : memref<128xf32, #tpu.memory_space<vmem>>) target(%dma_start3A_472 : memref<1048576xf32, #tpu.memory_space<vmem_shared>>) offsets(%arg10 : memref<128xi32, #tpu.memory_space<vmem>>) semaphore(%run_scoped3A : memref<!tpu.dma_semaphore, #tpu.memory_space<semaphore_mem>>) {add = true}
        %dma_wait3A_473 = arith.constant 0 : i32
        %dma_wait3A_474 = tpu.memref_slice %arg6[%dma_wait3A_473] : memref<1048576xf32, #tpu.memory_space<vmem_shared>> -> memref<1048576xf32, #tpu.memory_space<vmem_shared>>
        tpu.wait_indirect_dma semaphore(%run_scoped3A : memref<!tpu.dma_semaphore, #tpu.memory_space<semaphore_mem>>) src(%arg11 : memref<128xf32, #tpu.memory_space<vmem>>) dst(%dma_wait3A_474 : memref<1048576xf32, #tpu.memory_space<vmem_shared>>)
        tpu.yield
      }) : () -> ()
      %barrier3A_83 = arith.constant 0 : index
      tpu.barrier barrier_id(%barrier3A_83)
      "tpu.region"() ({
        %run_scoped3A = tpu.sem_alloc : memref<!tpu.dma_semaphore, #tpu.memory_space<semaphore_mem>>
        %dma_start3A_471 = arith.constant 0 : i32
        %dma_start3A_472 = tpu.memref_slice %arg6[%dma_start3A_471] : memref<1048576xf32, #tpu.memory_space<vmem_shared>> -> memref<1048576xf32, #tpu.memory_space<vmem_shared>>
        tpu.enqueue_indirect_dma source(%dma_start3A_472 : memref<1048576xf32, #tpu.memory_space<vmem_shared>>) target(%arg12 : memref<128xf32, #tpu.memory_space<vmem>>) offsets(%arg10 : memref<128xi32, #tpu.memory_space<vmem>>) semaphore(%run_scoped3A : memref<!tpu.dma_semaphore, #tpu.memory_space<semaphore_mem>>)
        %dma_wait3A_473 = arith.constant 0 : i32
        %dma_wait3A_474 = tpu.memref_slice %arg6[%dma_wait3A_473] : memref<1048576xf32, #tpu.memory_space<vmem_shared>> -> memref<1048576xf32, #tpu.memory_space<vmem_shared>>
        tpu.wait_indirect_dma semaphore(%run_scoped3A : memref<!tpu.dma_semaphore, #tpu.memory_space<semaphore_mem>>) src(%dma_wait3A_474 : memref<1048576xf32, #tpu.memory_space<vmem_shared>>) dst(%arg12 : memref<128xf32, #tpu.memory_space<vmem>>)
        tpu.yield
      }) : () -> ()
      %barrier3A_84 = arith.constant 0 : index
      tpu.barrier barrier_id(%barrier3A_84)
      "tpu.region"() ({
        %run_scoped3A = tpu.sem_alloc : memref<!tpu.dma_semaphore, #tpu.memory_space<semaphore_mem>>
        %dma_start3A_471 = arith.constant 0 : i32
        %dma_start3A_472 = tpu.memref_slice %arg16[%dma_start3A_471] : memref<2048xf32, #tpu.memory_space<vmem>> -> memref<128xf32, #tpu.memory_space<vmem>>
        %dma_start3A_473 = arith.constant 0 : i32
        %dma_start3A_474 = tpu.memref_slice %arg6[%dma_start3A_473] : memref<1048576xf32, #tpu.memory_space<vmem_shared>> -> memref<1048576xf32, #tpu.memory_space<vmem_shared>>
        tpu.enqueue_indirect_dma source(%dma_start3A_472 : memref<128xf32, #tpu.memory_space<vmem>>) target(%dma_start3A_474 : memref<1048576xf32, #tpu.memory_space<vmem_shared>>) offsets(%arg10 : memref<128xi32, #tpu.memory_space<vmem>>) semaphore(%run_scoped3A : memref<!tpu.dma_semaphore, #tpu.memory_space<semaphore_mem>>)
        %dma_wait3A_475 = arith.constant 0 : i32
        %dma_wait3A_476 = tpu.memref_slice %arg16[%dma_wait3A_475] : memref<2048xf32, #tpu.memory_space<vmem>> -> memref<128xf32, #tpu.memory_space<vmem>>
        %dma_wait3A_477 = arith.constant 0 : i32
        %dma_wait3A_478 = tpu.memref_slice %arg6[%dma_wait3A_477] : memref<1048576xf32, #tpu.memory_space<vmem_shared>> -> memref<1048576xf32, #tpu.memory_space<vmem_shared>>
        tpu.wait_indirect_dma semaphore(%run_scoped3A : memref<!tpu.dma_semaphore, #tpu.memory_space<semaphore_mem>>) src(%dma_wait3A_476 : memref<128xf32, #tpu.memory_space<vmem>>) dst(%dma_wait3A_478 : memref<1048576xf32, #tpu.memory_space<vmem_shared>>)
        tpu.yield
      }) : () -> ()
      %dma_wait3A = arith.constant 0 : i32
      %dma_wait3A_85 = tpu.memref_slice %arg4[%dma_wait3A] : memref<1048576xf32, #tpu.memory_space<hbm>> -> memref<1048576xf32, #tpu.memory_space<hbm>>
      tpu.wait_indirect_dma semaphore(%arg17 : memref<!tpu.dma_semaphore, #tpu.memory_space<semaphore_mem>>) src(%dma_wait3A_85 : memref<1048576xf32, #tpu.memory_space<hbm>>) dst(%arg13 : memref<128xf32, #tpu.memory_space<vmem>>)
      %broadcast_in_dim3A_86 = arith.constant 0.000000e+00 : f32
      %broadcast_in_dim3A_87 = vector.broadcast %broadcast_in_dim3A_86 : f32 to vector<16xf32>
      %get3A = arith.constant 0 : index
      %get3A_88 = tpu.vector_load %arg13[%get3A] {strides = array<i32>} : memref<128xf32, #tpu.memory_space<vmem>>, vector<16xf32>,
      %get3A_89 = vector.shape_cast %get3A_88 : vector<16xf32> to vector<16xf32>
      %get3A_90 = arith.constant 0 : index
      %get3A_91 = tpu.vector_load %arg12[%get3A_90] {strides = array<i32>} : memref<128xf32, #tpu.memory_space<vmem>>, vector<16xf32>,
      %get3A_92 = vector.shape_cast %get3A_91 : vector<16xf32> to vector<16xf32>
      %ge3A = arith.constant 2.000000e+00 : f32
      %ge3A_93 = vector.broadcast %ge3A : f32 to vector<16xf32>
      %ge3A_94 = arith.cmpf oge, %get3A_92, %ge3A_93 : vector<16xf32>
      %div3A = arith.constant 1.000000e+00 : f32
      %div3A_95 = vector.broadcast %div3A : f32 to vector<16xf32>
      %div3A_96 = arith.divf %div3A_95, %get3A_92 : vector<16xf32>
      %jit3A = arith.constant 0.000000e+00 : f32
      %broadcast_in_dim3A_97 = vector.broadcast %jit3A : f32 to vector<16xf32>
      %select_n3A = arith.select %ge3A_94, %div3A_96, %broadcast_in_dim3A_97 : vector<16xi1>, vector<16xf32>
      %get3A_98 = arith.constant 0 : index
      %get3A_99 = tpu.vector_load %arg8[%get3A_98] {strides = array<i32>} : memref<136xi32, #tpu.memory_space<vmem>>, vector<16xi32>,
      %get3A_100 = vector.shape_cast %get3A_99 : vector<16xi32> to vector<16xi32>
      %get3A_101 = arith.constant 0 : index
      %get3A_102 = tpu.vector_load %arg9[%get3A_101] {strides = array<i32>} : memref<136xi32, #tpu.memory_space<vmem>>, vector<16xi32>,
      %get3A_103 = vector.shape_cast %get3A_102 : vector<16xi32> to vector<16xi32>
      %get3A_104 = arith.constant 1 : index
      %get3A_105 = tpu.vector_load %arg8[%get3A_104] {strides = array<i32>} : memref<136xi32, #tpu.memory_space<vmem>>, vector<16xi32>,
      %get3A_106 = vector.shape_cast %get3A_105 : vector<16xi32> to vector<16xi32>
      %get3A_107 = arith.constant 1 : index
      %get3A_108 = tpu.vector_load %arg9[%get3A_107] {strides = array<i32>} : memref<136xi32, #tpu.memory_space<vmem>>, vector<16xi32>,
      %get3A_109 = vector.shape_cast %get3A_108 : vector<16xi32> to vector<16xi32>
      %sub3A = arith.subi %get3A_106, %get3A_100 : vector<16xi32>
      %abs3A = math.absi %sub3A : vector<16xi32>
      %sub3A_110 = arith.subi %get3A_109, %get3A_103 : vector<16xi32>
      %abs3A_111 = math.absi %sub3A_110 : vector<16xi32>
      %add3A_112 = arith.addi %abs3A, %abs3A_111 : vector<16xi32>
      %gt3A = arith.constant 1 : i32
      %gt3A_113 = vector.broadcast %gt3A : i32 to vector<16xi32>
      %gt3A_114 = arith.cmpi sgt, %add3A_112, %gt3A_113 : vector<16xi32>
      %jit3A_115 = arith.constant 5.000000e-01 : f32
      %jit3A_116 = arith.constant 0.000000e+00 : f32
      %broadcast_in_dim3A_117 = vector.broadcast %jit3A_115 : f32 to vector<16xf32>
      %broadcast_in_dim3A_118 = vector.broadcast %jit3A_116 : f32 to vector<16xf32>
      %select_n3A_119 = arith.select %gt3A_114, %broadcast_in_dim3A_117, %broadcast_in_dim3A_118 : vector<16xi1>, vector<16xf32>
      %add3A_120 = arith.addf %broadcast_in_dim3A_87, %get3A_89 : vector<16xf32>
      %mul3A_121 = arith.constant 2.000000e-01 : f32
      %mul3A_122 = vector.broadcast %mul3A_121 : f32 to vector<16xf32>
      %mul3A_123 = arith.mulf %mul3A_122, %select_n3A : vector<16xf32>
      %sub3A_124 = arith.subf %add3A_120, %mul3A_123 : vector<16xf32>
      %sub3A_125 = arith.subf %sub3A_124, %select_n3A_119 : vector<16xf32>
      %get3A_126 = arith.constant 16 : index
      %get3A_127 = tpu.vector_load %arg13[%get3A_126] {strides = array<i32>} : memref<128xf32, #tpu.memory_space<vmem>>, vector<16xf32>,
      %get3A_128 = vector.shape_cast %get3A_127 : vector<16xf32> to vector<16xf32>
      %get3A_129 = arith.constant 16 : index
      %get3A_130 = tpu.vector_load %arg12[%get3A_129] {strides = array<i32>} : memref<128xf32, #tpu.memory_space<vmem>>, vector<16xf32>,
      %get3A_131 = vector.shape_cast %get3A_130 : vector<16xf32> to vector<16xf32>
      %ge3A_132 = arith.constant 2.000000e+00 : f32
      %ge3A_133 = vector.broadcast %ge3A_132 : f32 to vector<16xf32>
      %ge3A_134 = arith.cmpf oge, %get3A_131, %ge3A_133 : vector<16xf32>
      %div3A_135 = arith.constant 1.000000e+00 : f32
      %div3A_136 = vector.broadcast %div3A_135 : f32 to vector<16xf32>
      %div3A_137 = arith.divf %div3A_136, %get3A_131 : vector<16xf32>
      %jit3A_138 = arith.constant 0.000000e+00 : f32
      %broadcast_in_dim3A_139 = vector.broadcast %jit3A_138 : f32 to vector<16xf32>
      %select_n3A_140 = arith.select %ge3A_134, %div3A_137, %broadcast_in_dim3A_139 : vector<16xi1>, vector<16xf32>
      %get3A_141 = arith.constant 16 : index
      %get3A_142 = tpu.vector_load %arg8[%get3A_141] {strides = array<i32>} : memref<136xi32, #tpu.memory_space<vmem>>, vector<16xi32>,
      %get3A_143 = vector.shape_cast %get3A_142 : vector<16xi32> to vector<16xi32>
      %get3A_144 = arith.constant 16 : index
      %get3A_145 = tpu.vector_load %arg9[%get3A_144] {strides = array<i32>} : memref<136xi32, #tpu.memory_space<vmem>>, vector<16xi32>,
      %get3A_146 = vector.shape_cast %get3A_145 : vector<16xi32> to vector<16xi32>
      %get3A_147 = arith.constant 17 : index
      %get3A_148 = tpu.vector_load %arg8[%get3A_147] {strides = array<i32>} : memref<136xi32, #tpu.memory_space<vmem>>, vector<16xi32>,
      %get3A_149 = vector.shape_cast %get3A_148 : vector<16xi32> to vector<16xi32>
      %get3A_150 = arith.constant 17 : index
      %get3A_151 = tpu.vector_load %arg9[%get3A_150] {strides = array<i32>} : memref<136xi32, #tpu.memory_space<vmem>>, vector<16xi32>,
      %get3A_152 = vector.shape_cast %get3A_151 : vector<16xi32> to vector<16xi32>
      %sub3A_153 = arith.subi %get3A_149, %get3A_143 : vector<16xi32>
      %abs3A_154 = math.absi %sub3A_153 : vector<16xi32>
      %sub3A_155 = arith.subi %get3A_152, %get3A_146 : vector<16xi32>
      %abs3A_156 = math.absi %sub3A_155 : vector<16xi32>
      %add3A_157 = arith.addi %abs3A_154, %abs3A_156 : vector<16xi32>
      %gt3A_158 = arith.constant 1 : i32
      %gt3A_159 = vector.broadcast %gt3A_158 : i32 to vector<16xi32>
      %gt3A_160 = arith.cmpi sgt, %add3A_157, %gt3A_159 : vector<16xi32>
      %jit3A_161 = arith.constant 5.000000e-01 : f32
      %jit3A_162 = arith.constant 0.000000e+00 : f32
      %broadcast_in_dim3A_163 = vector.broadcast %jit3A_161 : f32 to vector<16xf32>
      %broadcast_in_dim3A_164 = vector.broadcast %jit3A_162 : f32 to vector<16xf32>
      %select_n3A_165 = arith.select %gt3A_160, %broadcast_in_dim3A_163, %broadcast_in_dim3A_164 : vector<16xi1>, vector<16xf32>
      %add3A_166 = arith.addf %sub3A_125, %get3A_128 : vector<16xf32>
      %mul3A_167 = arith.constant 2.000000e-01 : f32
      %mul3A_168 = vector.broadcast %mul3A_167 : f32 to vector<16xf32>
      %mul3A_169 = arith.mulf %mul3A_168, %select_n3A_140 : vector<16xf32>
      %sub3A_170 = arith.subf %add3A_166, %mul3A_169 : vector<16xf32>
      %sub3A_171 = arith.subf %sub3A_170, %select_n3A_165 : vector<16xf32>
      %get3A_172 = arith.constant 32 : index
      %get3A_173 = tpu.vector_load %arg13[%get3A_172] {strides = array<i32>} : memref<128xf32, #tpu.memory_space<vmem>>, vector<16xf32>,
      %get3A_174 = vector.shape_cast %get3A_173 : vector<16xf32> to vector<16xf32>
      %get3A_175 = arith.constant 32 : index
      %get3A_176 = tpu.vector_load %arg12[%get3A_175] {strides = array<i32>} : memref<128xf32, #tpu.memory_space<vmem>>, vector<16xf32>,
      %get3A_177 = vector.shape_cast %get3A_176 : vector<16xf32> to vector<16xf32>
      %ge3A_178 = arith.constant 2.000000e+00 : f32
      %ge3A_179 = vector.broadcast %ge3A_178 : f32 to vector<16xf32>
      %ge3A_180 = arith.cmpf oge, %get3A_177, %ge3A_179 : vector<16xf32>
      %div3A_181 = arith.constant 1.000000e+00 : f32
      %div3A_182 = vector.broadcast %div3A_181 : f32 to vector<16xf32>
      %div3A_183 = arith.divf %div3A_182, %get3A_177 : vector<16xf32>
      %jit3A_184 = arith.constant 0.000000e+00 : f32
      %broadcast_in_dim3A_185 = vector.broadcast %jit3A_184 : f32 to vector<16xf32>
      %select_n3A_186 = arith.select %ge3A_180, %div3A_183, %broadcast_in_dim3A_185 : vector<16xi1>, vector<16xf32>
      %get3A_187 = arith.constant 32 : index
      %get3A_188 = tpu.vector_load %arg8[%get3A_187] {strides = array<i32>} : memref<136xi32, #tpu.memory_space<vmem>>, vector<16xi32>,
      %get3A_189 = vector.shape_cast %get3A_188 : vector<16xi32> to vector<16xi32>
      %get3A_190 = arith.constant 32 : index
      %get3A_191 = tpu.vector_load %arg9[%get3A_190] {strides = array<i32>} : memref<136xi32, #tpu.memory_space<vmem>>, vector<16xi32>,
      %get3A_192 = vector.shape_cast %get3A_191 : vector<16xi32> to vector<16xi32>
      %get3A_193 = arith.constant 33 : index
      %get3A_194 = tpu.vector_load %arg8[%get3A_193] {strides = array<i32>} : memref<136xi32, #tpu.memory_space<vmem>>, vector<16xi32>,
      %get3A_195 = vector.shape_cast %get3A_194 : vector<16xi32> to vector<16xi32>
      %get3A_196 = arith.constant 33 : index
      %get3A_197 = tpu.vector_load %arg9[%get3A_196] {strides = array<i32>} : memref<136xi32, #tpu.memory_space<vmem>>, vector<16xi32>,
      %get3A_198 = vector.shape_cast %get3A_197 : vector<16xi32> to vector<16xi32>
      %sub3A_199 = arith.subi %get3A_195, %get3A_189 : vector<16xi32>
      %abs3A_200 = math.absi %sub3A_199 : vector<16xi32>
      %sub3A_201 = arith.subi %get3A_198, %get3A_192 : vector<16xi32>
      %abs3A_202 = math.absi %sub3A_201 : vector<16xi32>
      %add3A_203 = arith.addi %abs3A_200, %abs3A_202 : vector<16xi32>
      %gt3A_204 = arith.constant 1 : i32
      %gt3A_205 = vector.broadcast %gt3A_204 : i32 to vector<16xi32>
      %gt3A_206 = arith.cmpi sgt, %add3A_203, %gt3A_205 : vector<16xi32>
      %jit3A_207 = arith.constant 5.000000e-01 : f32
      %jit3A_208 = arith.constant 0.000000e+00 : f32
      %broadcast_in_dim3A_209 = vector.broadcast %jit3A_207 : f32 to vector<16xf32>
      %broadcast_in_dim3A_210 = vector.broadcast %jit3A_208 : f32 to vector<16xf32>
      %select_n3A_211 = arith.select %gt3A_206, %broadcast_in_dim3A_209, %broadcast_in_dim3A_210 : vector<16xi1>, vector<16xf32>
      %add3A_212 = arith.addf %sub3A_171, %get3A_174 : vector<16xf32>
      %mul3A_213 = arith.constant 2.000000e-01 : f32
      %mul3A_214 = vector.broadcast %mul3A_213 : f32 to vector<16xf32>
      %mul3A_215 = arith.mulf %mul3A_214, %select_n3A_186 : vector<16xf32>
      %sub3A_216 = arith.subf %add3A_212, %mul3A_215 : vector<16xf32>
      %sub3A_217 = arith.subf %sub3A_216, %select_n3A_211 : vector<16xf32>
      %get3A_218 = arith.constant 48 : index
      %get3A_219 = tpu.vector_load %arg13[%get3A_218] {strides = array<i32>} : memref<128xf32, #tpu.memory_space<vmem>>, vector<16xf32>,
      %get3A_220 = vector.shape_cast %get3A_219 : vector<16xf32> to vector<16xf32>
      %get3A_221 = arith.constant 48 : index
      %get3A_222 = tpu.vector_load %arg12[%get3A_221] {strides = array<i32>} : memref<128xf32, #tpu.memory_space<vmem>>, vector<16xf32>,
      %get3A_223 = vector.shape_cast %get3A_222 : vector<16xf32> to vector<16xf32>
      %ge3A_224 = arith.constant 2.000000e+00 : f32
      %ge3A_225 = vector.broadcast %ge3A_224 : f32 to vector<16xf32>
      %ge3A_226 = arith.cmpf oge, %get3A_223, %ge3A_225 : vector<16xf32>
      %div3A_227 = arith.constant 1.000000e+00 : f32
      %div3A_228 = vector.broadcast %div3A_227 : f32 to vector<16xf32>
      %div3A_229 = arith.divf %div3A_228, %get3A_223 : vector<16xf32>
      %jit3A_230 = arith.constant 0.000000e+00 : f32
      %broadcast_in_dim3A_231 = vector.broadcast %jit3A_230 : f32 to vector<16xf32>
      %select_n3A_232 = arith.select %ge3A_226, %div3A_229, %broadcast_in_dim3A_231 : vector<16xi1>, vector<16xf32>
      %get3A_233 = arith.constant 48 : index
      %get3A_234 = tpu.vector_load %arg8[%get3A_233] {strides = array<i32>} : memref<136xi32, #tpu.memory_space<vmem>>, vector<16xi32>,
      %get3A_235 = vector.shape_cast %get3A_234 : vector<16xi32> to vector<16xi32>
      %get3A_236 = arith.constant 48 : index
      %get3A_237 = tpu.vector_load %arg9[%get3A_236] {strides = array<i32>} : memref<136xi32, #tpu.memory_space<vmem>>, vector<16xi32>,
      %get3A_238 = vector.shape_cast %get3A_237 : vector<16xi32> to vector<16xi32>
      %get3A_239 = arith.constant 49 : index
      %get3A_240 = tpu.vector_load %arg8[%get3A_239] {strides = array<i32>} : memref<136xi32, #tpu.memory_space<vmem>>, vector<16xi32>,
      %get3A_241 = vector.shape_cast %get3A_240 : vector<16xi32> to vector<16xi32>
      %get3A_242 = arith.constant 49 : index
      %get3A_243 = tpu.vector_load %arg9[%get3A_242] {strides = array<i32>} : memref<136xi32, #tpu.memory_space<vmem>>, vector<16xi32>,
      %get3A_244 = vector.shape_cast %get3A_243 : vector<16xi32> to vector<16xi32>
      %sub3A_245 = arith.subi %get3A_241, %get3A_235 : vector<16xi32>
      %abs3A_246 = math.absi %sub3A_245 : vector<16xi32>
      %sub3A_247 = arith.subi %get3A_244, %get3A_238 : vector<16xi32>
      %abs3A_248 = math.absi %sub3A_247 : vector<16xi32>
      %add3A_249 = arith.addi %abs3A_246, %abs3A_248 : vector<16xi32>
      %gt3A_250 = arith.constant 1 : i32
      %gt3A_251 = vector.broadcast %gt3A_250 : i32 to vector<16xi32>
      %gt3A_252 = arith.cmpi sgt, %add3A_249, %gt3A_251 : vector<16xi32>
      %jit3A_253 = arith.constant 5.000000e-01 : f32
      %jit3A_254 = arith.constant 0.000000e+00 : f32
      %broadcast_in_dim3A_255 = vector.broadcast %jit3A_253 : f32 to vector<16xf32>
      %broadcast_in_dim3A_256 = vector.broadcast %jit3A_254 : f32 to vector<16xf32>
      %select_n3A_257 = arith.select %gt3A_252, %broadcast_in_dim3A_255, %broadcast_in_dim3A_256 : vector<16xi1>, vector<16xf32>
      %add3A_258 = arith.addf %sub3A_217, %get3A_220 : vector<16xf32>
      %mul3A_259 = arith.constant 2.000000e-01 : f32
      %mul3A_260 = vector.broadcast %mul3A_259 : f32 to vector<16xf32>
      %mul3A_261 = arith.mulf %mul3A_260, %select_n3A_232 : vector<16xf32>
      %sub3A_262 = arith.subf %add3A_258, %mul3A_261 : vector<16xf32>
      %sub3A_263 = arith.subf %sub3A_262, %select_n3A_257 : vector<16xf32>
      %get3A_264 = arith.constant 64 : index
      %get3A_265 = tpu.vector_load %arg13[%get3A_264] {strides = array<i32>} : memref<128xf32, #tpu.memory_space<vmem>>, vector<16xf32>,
      %get3A_266 = vector.shape_cast %get3A_265 : vector<16xf32> to vector<16xf32>
      %get3A_267 = arith.constant 64 : index
      %get3A_268 = tpu.vector_load %arg12[%get3A_267] {strides = array<i32>} : memref<128xf32, #tpu.memory_space<vmem>>, vector<16xf32>,
      %get3A_269 = vector.shape_cast %get3A_268 : vector<16xf32> to vector<16xf32>
      %ge3A_270 = arith.constant 2.000000e+00 : f32
      %ge3A_271 = vector.broadcast %ge3A_270 : f32 to vector<16xf32>
      %ge3A_272 = arith.cmpf oge, %get3A_269, %ge3A_271 : vector<16xf32>
      %div3A_273 = arith.constant 1.000000e+00 : f32
      %div3A_274 = vector.broadcast %div3A_273 : f32 to vector<16xf32>
      %div3A_275 = arith.divf %div3A_274, %get3A_269 : vector<16xf32>
      %jit3A_276 = arith.constant 0.000000e+00 : f32
      %broadcast_in_dim3A_277 = vector.broadcast %jit3A_276 : f32 to vector<16xf32>
      %select_n3A_278 = arith.select %ge3A_272, %div3A_275, %broadcast_in_dim3A_277 : vector<16xi1>, vector<16xf32>
      %get3A_279 = arith.constant 64 : index
      %get3A_280 = tpu.vector_load %arg8[%get3A_279] {strides = array<i32>} : memref<136xi32, #tpu.memory_space<vmem>>, vector<16xi32>,
      %get3A_281 = vector.shape_cast %get3A_280 : vector<16xi32> to vector<16xi32>
      %get3A_282 = arith.constant 64 : index
      %get3A_283 = tpu.vector_load %arg9[%get3A_282] {strides = array<i32>} : memref<136xi32, #tpu.memory_space<vmem>>, vector<16xi32>,
      %get3A_284 = vector.shape_cast %get3A_283 : vector<16xi32> to vector<16xi32>
      %get3A_285 = arith.constant 65 : index
      %get3A_286 = tpu.vector_load %arg8[%get3A_285] {strides = array<i32>} : memref<136xi32, #tpu.memory_space<vmem>>, vector<16xi32>,
      %get3A_287 = vector.shape_cast %get3A_286 : vector<16xi32> to vector<16xi32>
      %get3A_288 = arith.constant 65 : index
      %get3A_289 = tpu.vector_load %arg9[%get3A_288] {strides = array<i32>} : memref<136xi32, #tpu.memory_space<vmem>>, vector<16xi32>,
      %get3A_290 = vector.shape_cast %get3A_289 : vector<16xi32> to vector<16xi32>
      %sub3A_291 = arith.subi %get3A_287, %get3A_281 : vector<16xi32>
      %abs3A_292 = math.absi %sub3A_291 : vector<16xi32>
      %sub3A_293 = arith.subi %get3A_290, %get3A_284 : vector<16xi32>
      %abs3A_294 = math.absi %sub3A_293 : vector<16xi32>
      %add3A_295 = arith.addi %abs3A_292, %abs3A_294 : vector<16xi32>
      %gt3A_296 = arith.constant 1 : i32
      %gt3A_297 = vector.broadcast %gt3A_296 : i32 to vector<16xi32>
      %gt3A_298 = arith.cmpi sgt, %add3A_295, %gt3A_297 : vector<16xi32>
      %jit3A_299 = arith.constant 5.000000e-01 : f32
      %jit3A_300 = arith.constant 0.000000e+00 : f32
      %broadcast_in_dim3A_301 = vector.broadcast %jit3A_299 : f32 to vector<16xf32>
      %broadcast_in_dim3A_302 = vector.broadcast %jit3A_300 : f32 to vector<16xf32>
      %select_n3A_303 = arith.select %gt3A_298, %broadcast_in_dim3A_301, %broadcast_in_dim3A_302 : vector<16xi1>, vector<16xf32>
      %add3A_304 = arith.addf %sub3A_263, %get3A_266 : vector<16xf32>
      %mul3A_305 = arith.constant 2.000000e-01 : f32
      %mul3A_306 = vector.broadcast %mul3A_305 : f32 to vector<16xf32>
      %mul3A_307 = arith.mulf %mul3A_306, %select_n3A_278 : vector<16xf32>
      %sub3A_308 = arith.subf %add3A_304, %mul3A_307 : vector<16xf32>
      %sub3A_309 = arith.subf %sub3A_308, %select_n3A_303 : vector<16xf32>
      %get3A_310 = arith.constant 80 : index
      %get3A_311 = tpu.vector_load %arg13[%get3A_310] {strides = array<i32>} : memref<128xf32, #tpu.memory_space<vmem>>, vector<16xf32>,
      %get3A_312 = vector.shape_cast %get3A_311 : vector<16xf32> to vector<16xf32>
      %get3A_313 = arith.constant 80 : index
      %get3A_314 = tpu.vector_load %arg12[%get3A_313] {strides = array<i32>} : memref<128xf32, #tpu.memory_space<vmem>>, vector<16xf32>,
      %get3A_315 = vector.shape_cast %get3A_314 : vector<16xf32> to vector<16xf32>
      %ge3A_316 = arith.constant 2.000000e+00 : f32
      %ge3A_317 = vector.broadcast %ge3A_316 : f32 to vector<16xf32>
      %ge3A_318 = arith.cmpf oge, %get3A_315, %ge3A_317 : vector<16xf32>
      %div3A_319 = arith.constant 1.000000e+00 : f32
      %div3A_320 = vector.broadcast %div3A_319 : f32 to vector<16xf32>
      %div3A_321 = arith.divf %div3A_320, %get3A_315 : vector<16xf32>
      %jit3A_322 = arith.constant 0.000000e+00 : f32
      %broadcast_in_dim3A_323 = vector.broadcast %jit3A_322 : f32 to vector<16xf32>
      %select_n3A_324 = arith.select %ge3A_318, %div3A_321, %broadcast_in_dim3A_323 : vector<16xi1>, vector<16xf32>
      %get3A_325 = arith.constant 80 : index
      %get3A_326 = tpu.vector_load %arg8[%get3A_325] {strides = array<i32>} : memref<136xi32, #tpu.memory_space<vmem>>, vector<16xi32>,
      %get3A_327 = vector.shape_cast %get3A_326 : vector<16xi32> to vector<16xi32>
      %get3A_328 = arith.constant 80 : index
      %get3A_329 = tpu.vector_load %arg9[%get3A_328] {strides = array<i32>} : memref<136xi32, #tpu.memory_space<vmem>>, vector<16xi32>,
      %get3A_330 = vector.shape_cast %get3A_329 : vector<16xi32> to vector<16xi32>
      %get3A_331 = arith.constant 81 : index
      %get3A_332 = tpu.vector_load %arg8[%get3A_331] {strides = array<i32>} : memref<136xi32, #tpu.memory_space<vmem>>, vector<16xi32>,
      %get3A_333 = vector.shape_cast %get3A_332 : vector<16xi32> to vector<16xi32>
      %get3A_334 = arith.constant 81 : index
      %get3A_335 = tpu.vector_load %arg9[%get3A_334] {strides = array<i32>} : memref<136xi32, #tpu.memory_space<vmem>>, vector<16xi32>,
      %get3A_336 = vector.shape_cast %get3A_335 : vector<16xi32> to vector<16xi32>
      %sub3A_337 = arith.subi %get3A_333, %get3A_327 : vector<16xi32>
      %abs3A_338 = math.absi %sub3A_337 : vector<16xi32>
      %sub3A_339 = arith.subi %get3A_336, %get3A_330 : vector<16xi32>
      %abs3A_340 = math.absi %sub3A_339 : vector<16xi32>
      %add3A_341 = arith.addi %abs3A_338, %abs3A_340 : vector<16xi32>
      %gt3A_342 = arith.constant 1 : i32
      %gt3A_343 = vector.broadcast %gt3A_342 : i32 to vector<16xi32>
      %gt3A_344 = arith.cmpi sgt, %add3A_341, %gt3A_343 : vector<16xi32>
      %jit3A_345 = arith.constant 5.000000e-01 : f32
      %jit3A_346 = arith.constant 0.000000e+00 : f32
      %broadcast_in_dim3A_347 = vector.broadcast %jit3A_345 : f32 to vector<16xf32>
      %broadcast_in_dim3A_348 = vector.broadcast %jit3A_346 : f32 to vector<16xf32>
      %select_n3A_349 = arith.select %gt3A_344, %broadcast_in_dim3A_347, %broadcast_in_dim3A_348 : vector<16xi1>, vector<16xf32>
      %add3A_350 = arith.addf %sub3A_309, %get3A_312 : vector<16xf32>
      %mul3A_351 = arith.constant 2.000000e-01 : f32
      %mul3A_352 = vector.broadcast %mul3A_351 : f32 to vector<16xf32>
      %mul3A_353 = arith.mulf %mul3A_352, %select_n3A_324 : vector<16xf32>
      %sub3A_354 = arith.subf %add3A_350, %mul3A_353 : vector<16xf32>
      %sub3A_355 = arith.subf %sub3A_354, %select_n3A_349 : vector<16xf32>
      %get3A_356 = arith.constant 96 : index
      %get3A_357 = tpu.vector_load %arg13[%get3A_356] {strides = array<i32>} : memref<128xf32, #tpu.memory_space<vmem>>, vector<16xf32>,
      %get3A_358 = vector.shape_cast %get3A_357 : vector<16xf32> to vector<16xf32>
      %get3A_359 = arith.constant 96 : index
      %get3A_360 = tpu.vector_load %arg12[%get3A_359] {strides = array<i32>} : memref<128xf32, #tpu.memory_space<vmem>>, vector<16xf32>,
      %get3A_361 = vector.shape_cast %get3A_360 : vector<16xf32> to vector<16xf32>
      %ge3A_362 = arith.constant 2.000000e+00 : f32
      %ge3A_363 = vector.broadcast %ge3A_362 : f32 to vector<16xf32>
      %ge3A_364 = arith.cmpf oge, %get3A_361, %ge3A_363 : vector<16xf32>
      %div3A_365 = arith.constant 1.000000e+00 : f32
      %div3A_366 = vector.broadcast %div3A_365 : f32 to vector<16xf32>
      %div3A_367 = arith.divf %div3A_366, %get3A_361 : vector<16xf32>
      %jit3A_368 = arith.constant 0.000000e+00 : f32
      %broadcast_in_dim3A_369 = vector.broadcast %jit3A_368 : f32 to vector<16xf32>
      %select_n3A_370 = arith.select %ge3A_364, %div3A_367, %broadcast_in_dim3A_369 : vector<16xi1>, vector<16xf32>
      %get3A_371 = arith.constant 96 : index
      %get3A_372 = tpu.vector_load %arg8[%get3A_371] {strides = array<i32>} : memref<136xi32, #tpu.memory_space<vmem>>, vector<16xi32>,
      %get3A_373 = vector.shape_cast %get3A_372 : vector<16xi32> to vector<16xi32>
      %get3A_374 = arith.constant 96 : index
      %get3A_375 = tpu.vector_load %arg9[%get3A_374] {strides = array<i32>} : memref<136xi32, #tpu.memory_space<vmem>>, vector<16xi32>,
      %get3A_376 = vector.shape_cast %get3A_375 : vector<16xi32> to vector<16xi32>
      %get3A_377 = arith.constant 97 : index
      %get3A_378 = tpu.vector_load %arg8[%get3A_377] {strides = array<i32>} : memref<136xi32, #tpu.memory_space<vmem>>, vector<16xi32>,
      %get3A_379 = vector.shape_cast %get3A_378 : vector<16xi32> to vector<16xi32>
      %get3A_380 = arith.constant 97 : index
      %get3A_381 = tpu.vector_load %arg9[%get3A_380] {strides = array<i32>} : memref<136xi32, #tpu.memory_space<vmem>>, vector<16xi32>,
      %get3A_382 = vector.shape_cast %get3A_381 : vector<16xi32> to vector<16xi32>
      %sub3A_383 = arith.subi %get3A_379, %get3A_373 : vector<16xi32>
      %abs3A_384 = math.absi %sub3A_383 : vector<16xi32>
      %sub3A_385 = arith.subi %get3A_382, %get3A_376 : vector<16xi32>
      %abs3A_386 = math.absi %sub3A_385 : vector<16xi32>
      %add3A_387 = arith.addi %abs3A_384, %abs3A_386 : vector<16xi32>
      %gt3A_388 = arith.constant 1 : i32
      %gt3A_389 = vector.broadcast %gt3A_388 : i32 to vector<16xi32>
      %gt3A_390 = arith.cmpi sgt, %add3A_387, %gt3A_389 : vector<16xi32>
      %jit3A_391 = arith.constant 5.000000e-01 : f32
      %jit3A_392 = arith.constant 0.000000e+00 : f32
      %broadcast_in_dim3A_393 = vector.broadcast %jit3A_391 : f32 to vector<16xf32>
      %broadcast_in_dim3A_394 = vector.broadcast %jit3A_392 : f32 to vector<16xf32>
      %select_n3A_395 = arith.select %gt3A_390, %broadcast_in_dim3A_393, %broadcast_in_dim3A_394 : vector<16xi1>, vector<16xf32>
      %add3A_396 = arith.addf %sub3A_355, %get3A_358 : vector<16xf32>
      %mul3A_397 = arith.constant 2.000000e-01 : f32
      %mul3A_398 = vector.broadcast %mul3A_397 : f32 to vector<16xf32>
      %mul3A_399 = arith.mulf %mul3A_398, %select_n3A_370 : vector<16xf32>
      %sub3A_400 = arith.subf %add3A_396, %mul3A_399 : vector<16xf32>
      %sub3A_401 = arith.subf %sub3A_400, %select_n3A_395 : vector<16xf32>
      %get3A_402 = arith.constant 112 : index
      %get3A_403 = tpu.vector_load %arg13[%get3A_402] {strides = array<i32>} : memref<128xf32, #tpu.memory_space<vmem>>, vector<16xf32>,
      %get3A_404 = vector.shape_cast %get3A_403 : vector<16xf32> to vector<16xf32>
      %get3A_405 = arith.constant 112 : index
      %get3A_406 = tpu.vector_load %arg12[%get3A_405] {strides = array<i32>} : memref<128xf32, #tpu.memory_space<vmem>>, vector<16xf32>,
      %get3A_407 = vector.shape_cast %get3A_406 : vector<16xf32> to vector<16xf32>
      %ge3A_408 = arith.constant 2.000000e+00 : f32
      %ge3A_409 = vector.broadcast %ge3A_408 : f32 to vector<16xf32>
      %ge3A_410 = arith.cmpf oge, %get3A_407, %ge3A_409 : vector<16xf32>
      %div3A_411 = arith.constant 1.000000e+00 : f32
      %div3A_412 = vector.broadcast %div3A_411 : f32 to vector<16xf32>
      %div3A_413 = arith.divf %div3A_412, %get3A_407 : vector<16xf32>
      %jit3A_414 = arith.constant 0.000000e+00 : f32
      %broadcast_in_dim3A_415 = vector.broadcast %jit3A_414 : f32 to vector<16xf32>
      %select_n3A_416 = arith.select %ge3A_410, %div3A_413, %broadcast_in_dim3A_415 : vector<16xi1>, vector<16xf32>
      %get3A_417 = arith.constant 112 : index
      %get3A_418 = tpu.vector_load %arg8[%get3A_417] {strides = array<i32>} : memref<136xi32, #tpu.memory_space<vmem>>, vector<16xi32>,
      %get3A_419 = vector.shape_cast %get3A_418 : vector<16xi32> to vector<16xi32>
      %get3A_420 = arith.constant 112 : index
      %get3A_421 = tpu.vector_load %arg9[%get3A_420] {strides = array<i32>} : memref<136xi32, #tpu.memory_space<vmem>>, vector<16xi32>,
      %get3A_422 = vector.shape_cast %get3A_421 : vector<16xi32> to vector<16xi32>
      %get3A_423 = arith.constant 113 : index
      %get3A_424 = tpu.vector_load %arg8[%get3A_423] {strides = array<i32>} : memref<136xi32, #tpu.memory_space<vmem>>, vector<16xi32>,
      %get3A_425 = vector.shape_cast %get3A_424 : vector<16xi32> to vector<16xi32>
      %get3A_426 = arith.constant 113 : index
      %get3A_427 = tpu.vector_load %arg9[%get3A_426] {strides = array<i32>} : memref<136xi32, #tpu.memory_space<vmem>>, vector<16xi32>,
      %get3A_428 = vector.shape_cast %get3A_427 : vector<16xi32> to vector<16xi32>
      %sub3A_429 = arith.subi %get3A_425, %get3A_419 : vector<16xi32>
      %abs3A_430 = math.absi %sub3A_429 : vector<16xi32>
      %sub3A_431 = arith.subi %get3A_428, %get3A_422 : vector<16xi32>
      %abs3A_432 = math.absi %sub3A_431 : vector<16xi32>
      %add3A_433 = arith.addi %abs3A_430, %abs3A_432 : vector<16xi32>
      %gt3A_434 = arith.constant 1 : i32
      %gt3A_435 = vector.broadcast %gt3A_434 : i32 to vector<16xi32>
      %gt3A_436 = arith.cmpi sgt, %add3A_433, %gt3A_435 : vector<16xi32>
      %jit3A_437 = arith.constant 5.000000e-01 : f32
      %jit3A_438 = arith.constant 0.000000e+00 : f32
      %broadcast_in_dim3A_439 = vector.broadcast %jit3A_437 : f32 to vector<16xf32>
      %broadcast_in_dim3A_440 = vector.broadcast %jit3A_438 : f32 to vector<16xf32>
      %select_n3A_441 = arith.select %gt3A_436, %broadcast_in_dim3A_439, %broadcast_in_dim3A_440 : vector<16xi1>, vector<16xf32>
      %eq3A_442 = arith.constant 15 : i32
      %eq3A_443 = arith.cmpi eq, %arg1, %eq3A_442 : i32
      %jit3A_444 = arith.constant 0.000000e+00 : f32
      %jit3A_445 = arith.constant 1.000000e+00 : f32
      %select_n3A_446 = arith.select %eq3A_443, %jit3A_444, %jit3A_445 : f32
      %eq3A_447 = arith.constant 15 : i32
      %eq3A_448 = vector.broadcast %eq3A_447 : i32 to vector<16xi32>
      %eq3A_449 = arith.cmpi eq, %iota3A, %eq3A_448 : vector<16xi32>
      %jit3A_450 = arith.constant 1.000000e+00 : f32
      %broadcast_in_dim3A_451 = vector.broadcast %select_n3A_446 : f32 to vector<16xf32>
      %broadcast_in_dim3A_452 = vector.broadcast %jit3A_450 : f32 to vector<16xf32>
      %select_n3A_453 = arith.select %eq3A_449, %broadcast_in_dim3A_451, %broadcast_in_dim3A_452 : vector<16xi1>, vector<16xf32>
      %mul3A_454 = arith.mulf %select_n3A_441, %select_n3A_453 : vector<16xf32>
      %add3A_455 = arith.addf %sub3A_401, %get3A_404 : vector<16xf32>
      %mul3A_456 = arith.constant 2.000000e-01 : f32
      %mul3A_457 = vector.broadcast %mul3A_456 : f32 to vector<16xf32>
      %mul3A_458 = arith.mulf %mul3A_457, %select_n3A_416 : vector<16xf32>
      %sub3A_459 = arith.subf %add3A_455, %mul3A_458 : vector<16xf32>
      %sub3A_460 = arith.subf %sub3A_459, %mul3A_454 : vector<16xf32>
      %broadcast_in_dim3A_461 = vector.broadcast %add3A_59 : i32 to vector<16xi32>
      %swap3A_462 = arith.constant 0 : index
      %swap3A_463 = tpu.vector_load %arg14[%swap3A_462] {strides = array<i32>} : memref<16xi32, #tpu.memory_space<vmem>>, vector<16xi32>,
      %swap3A_464 = vector.shape_cast %swap3A_463 : vector<16xi32> to vector<16xi32>
      %swap3A_465 = vector.shape_cast %broadcast_in_dim3A_461 : vector<16xi32> to vector<16xi32>
      tpu.vector_store %arg14[%swap3A_462], %swap3A_465 {strides = array<i32>} : memref<16xi32, #tpu.memory_space<vmem>>, vector<16xi32>,
      %swap3A_466 = arith.constant 0 : index
      %swap3A_467 = tpu.vector_load %arg15[%swap3A_466] {strides = array<i32>} : memref<16xf32, #tpu.memory_space<vmem>>, vector<16xf32>,
      %swap3A_468 = vector.shape_cast %swap3A_467 : vector<16xf32> to vector<16xf32>
      %swap3A_469 = vector.shape_cast %sub3A_460 : vector<16xf32> to vector<16xf32>
      tpu.vector_store %arg15[%swap3A_466], %swap3A_469 {strides = array<i32>} : memref<16xf32, #tpu.memory_space<vmem>>, vector<16xf32>,
      "tpu.region"() ({
        %run_scoped3A = tpu.sem_alloc : memref<!tpu.dma_semaphore, #tpu.memory_space<semaphore_mem>>
        %dma_start3A_471 = arith.constant 0 : i32
        %dma_start3A_472 = tpu.memref_slice %arg7[%dma_start3A_471] : memref<2048xf32, #tpu.memory_space<vmem_shared>> -> memref<2048xf32, #tpu.memory_space<vmem_shared>>
        tpu.enqueue_indirect_dma source(%arg15 : memref<16xf32, #tpu.memory_space<vmem>>) target(%dma_start3A_472 : memref<2048xf32, #tpu.memory_space<vmem_shared>>) offsets(%arg14 : memref<16xi32, #tpu.memory_space<vmem>>) semaphore(%run_scoped3A : memref<!tpu.dma_semaphore, #tpu.memory_space<semaphore_mem>>) {add = true}
        %dma_wait3A_473 = arith.constant 0 : i32
        %dma_wait3A_474 = tpu.memref_slice %arg7[%dma_wait3A_473] : memref<2048xf32, #tpu.memory_space<vmem_shared>> -> memref<2048xf32, #tpu.memory_space<vmem_shared>>
        tpu.wait_indirect_dma semaphore(%run_scoped3A : memref<!tpu.dma_semaphore, #tpu.memory_space<semaphore_mem>>) src(%arg15 : memref<16xf32, #tpu.memory_space<vmem>>) dst(%dma_wait3A_474 : memref<2048xf32, #tpu.memory_space<vmem_shared>>)
        tpu.yield
      }) : () -> ()
      %barrier3A_470 = arith.constant 0 : index
      tpu.barrier barrier_id(%barrier3A_470)
    }
    %scan3A_50 = arith.constant 2048 : i32
    %eq3A_51 = arith.constant 0 : i32
    %eq3A_52 = arith.cmpi eq, %arg1, %eq3A_51 : i32
    %convert_element_type3A_53 = arith.extui %eq3A_52 : i1 to i32
    %cond3A_54 = arith.constant 0 : i32
    %cond3A_55 = arith.cmpi ne, %convert_element_type3A_53, %cond3A_54 : i32
    scf.if %cond3A_55 {
      %mul3A_56 = arith.constant 2048 : i32
      %mul3A_57 = arith.muli %arg0, %mul3A_56 : i32
      "tpu.region"() ({
        %run_scoped3A = tpu.sem_alloc : memref<!tpu.dma_semaphore, #tpu.memory_space<semaphore_mem>>
        %dma_start3A = tpu.memref_slice %arg5[%mul3A_57] : memref<4096xf32, #tpu.memory_space<hbm>> -> memref<2048xf32, #tpu.memory_space<hbm>>
        tpu.enqueue_dma source(%arg7 : memref<2048xf32, #tpu.memory_space<vmem_shared>>) target(%dma_start3A : memref<2048xf32, #tpu.memory_space<hbm>>) target_semaphore(%run_scoped3A : memref<!tpu.dma_semaphore, #tpu.memory_space<semaphore_mem>>)
        %dma_wait3A = tpu.memref_slice %arg5[%mul3A_57] : memref<4096xf32, #tpu.memory_space<hbm>> -> memref<2048xf32, #tpu.memory_space<hbm>>
        tpu.wait_dma2 semaphore(%run_scoped3A : memref<!tpu.dma_semaphore, #tpu.memory_space<semaphore_mem>>) src(%arg7 : memref<2048xf32, #tpu.memory_space<vmem_shared>>) dst(%dma_wait3A : memref<2048xf32, #tpu.memory_space<hbm>>)
        tpu.yield
      }) : () -> ()
    } else {
    }
    return
  }
}

</mosaic_0001>

<sc_bundles>
// kernel: kernel.3.cloned.1.call-start
scs
__scs_entry_jumppad:
0x0: {  	(pc) =	sbr.rel $0x88, $3  }
0x1: {  	(tag) =	ssettag $0x0;
	lr =	simm.s32 $0x1  }
0x2: {  	[smem:$0x3F9F] =	sst lr;
	_ =	strace $0xD0000000  }
0x3: {  	_ = 	snop  }
0x4: {  	_ = 	snop  }
0x5: {  	_ = 	snop  }
0x6: {  	_ = 	snop  }
0x7: {  	_ = 	snop  }
__scs_overlays_trampoline_lowered:
0x8: {  	[smem:$0x3FAE] =	sst s0  }
0x9: {  	[smem:$0x3FAF] =	sst s1  }
0xa: {  	[smem:$0x3FB0] =	sst s2  }
0xb: {  	[smem:$0x3FB1] =	sst s3  }
0xc: {  	[smem:$0x3FB2] =	sst s4  }
0xd: {  	[smem:$0x3FB3] =	sst s5  }
0xe: {  	[smem:$0x3FB4] =	sst s6  }
0xf: {  	[smem:$0x3FB5] =	sst s7  }
0x10: {  	[smem:$0x3FB6] =	sst s8  }
0x11: {  	[smem:$0x3FB7] =	sst s9;
	s0 =	simm.s32 @!p0 $0x0  }
0x12: {  	s1 =	sld [smem:$0x3F9D];
	s0 =	simm.s32 @p0 $0x1  }
0x13: {  	[smem:$0x3FB8] =	sst s0;
	s0 =	simm.s32 @!p1 $0x0  }
0x14: {  	s2 =	sld [smem:$0x3F9C];
	s0 =	simm.s32 @p1 $0x1  }
0x15: {  	[smem:$0x3FB9] =	sst s0;
	s0 =	simm.s32 @!p2 $0x0  }
0x16: {  	s3 =	sld [smem:$0x3FDB];
	s0 =	simm.s32 @p2 $0x1  }
0x17: {  	s4 =	simm.s32 $0x1BF5;
	[smem:$0x3FBB] =	sst s0  }
0x18: {  	s0 =	sld [smem:$0x3F9E];
	_ =	swait.ge [sflag:s4], $0x0  }
0x19: {  	s7 =	sld [smem:$0x3F9F]  }
0x1a: {  	s8 =	sadd.s32 $0xFFFFE003, lr  }
0x1b: {  	s9 =	sadd.s32 $0xFFFFFEF7, lr;
	s5 =	simm.s32 $0xFFFFFFFF;
	p2 =	slt.u32 s8, $0xFFFFF086  }
0x1c: {  	p1 =	slt.u32 s9, $0xF7A;
	s5 =	simm.s32 @!p2 $0x0  }
0x1d: {  	s5 =	simm.s32 @p1 $0x1;
	p0 =	seq.s32 s7, s2  }
0x1e: {  	s7 =	smul.u32 @!p0 $0xF7A, s2;
	p2 =	seq.s32 @!p0 s5, $0x0  }
0x1f: {  	s9 =	smul.u32 $0xF7A, s1;
	s8 =	simm.s32 @!p0 $0x1BF5;
	p2 =	por !p2, p0  }
0x20: {  	[sflag:s8] =	ssyncset.s32 @!p0 $0xFFFFF086;
	s6 =	sadd.s32 @!p0 s3, s7;
	s7 =	simm.s32 @!p0 $0x108  }
0x21: {  	s3 =	sadd.s32 s3, s9;
	s6 =	sadd.s32 @!p0 $0x88, s6;
	s7 =	simm.s32 @p2 $0x1082  }
0x22: {  	[simem:s7], [sflag:s8] =	dma.local @!p0 [hbm:s6], $0xF7A  }
0x23: {  	s9 =	sor.u32 $0xD0000000, s2;
	s6 =	simm.s32 $0x108;
	_ =	swait.ge @!p0 [sflag:s8], $0x0  }
0x24: {  	s3 =	sadd.s32 $0x88, s3;
	s6 =	simm.s32 @!p1 $0x1082;
	[sflag:s4] =	ssyncset.s32 $0xFFFFF086  }
0x25: {  	[simem:s6], [sflag:s4] =	dma.local [hbm:s3], $0xF7A  }
0x26: {  	[smem:$0x3F9F] =	sst s1;
	(tag) =	ssettag s2;
	_ =	strace s9  }
0x27: {  	s1 =	sld [smem:$0x3FAF]  }
0x28: {  	s2 =	sld [smem:$0x3FB0]  }
0x29: {  	s4 =	sld [smem:$0x3FB2]  }
0x2a: {  	p0 =	seq.s32 s5, $0x0;
	s5 =	sld [smem:$0x3FB3]  }
0x2b: {  	s6 =	sld [smem:$0x3FB4]  }
0x2c: {  	s7 =	sld [smem:$0x3FB5]  }
0x2d: {  	s3 =	simm.s32 $0x108;
	s8 =	sld [smem:$0x3FB6]  }
0x2e: {  	s3 =	simm.s32 @!p0 $0x1082;
	s9 =	sld [smem:$0x3FB7]  }
0x2f: {  	lr =	sadd.s32 s0, s3;
	s0 =	sld [smem:$0x3FAE]  }
0x30: {  	s3 =	sld [smem:$0x3FB1]  }
0x31: {  	[smem:$0x3FBA] =	sst s10  }
0x32: {  	s10 =	sld [smem:$0x3FB8];
	_ =	sdelay $0x3  }
0x33: {  	p0 =	seq.s32 s10, $0x1;
	s10 =	sld [smem:$0x3FBA];
	_ =	sdelay $0x3  }
0x34: {  	[smem:$0x3FBA] =	sst s10  }
0x35: {  	s10 =	sld [smem:$0x3FB9];
	_ =	sdelay $0x3  }
0x36: {  	p1 =	seq.s32 s10, $0x1;
	s10 =	sld [smem:$0x3FBA];
	_ =	sdelay $0x3  }
0x37: {  	[smem:$0x3FBA] =	sst s10  }
0x38: {  	s10 =	sld [smem:$0x3FBB]  }
0x39: {  	_ = 	snop;
	(pc) =	sbr.ind lr, $3  }
0x3a: {  	_ = 	snop  }
0x3b: {  	_ = 	snop  }
0x3c: {  	p2 =	seq.s32 s10, $0x1;
	s10 =	sld [smem:$0x3FBA]  }
0x3d: {  	_ =	shalt  }
0x3e: {  	_ =	shalt  }
0x3f: {  	_ =	shalt  }
0x40: {  	_ =	shalt  }
0x41: {  	_ =	shalt  }
0x42: {  	_ =	shalt  }
0x43: {  	_ =	shalt  }
0x44: {  	_ =	shalt  }
0x45: {  	_ =	shalt  }
0x46: {  	_ =	shalt  }
0x47: {  	_ =	shalt  }
0x48: {  	_ =	shalt  }
0x49: {  	_ =	shalt  }
0x4a: {  	_ =	shalt  }
0x4b: {  	_ =	shalt  }
0x4c: {  	_ =	shalt  }
0x4d: {  	_ =	shalt  }
0x4e: {  	_ =	shalt  }
0x4f: {  	_ =	shalt  }
0x50: {  	_ =	shalt  }
0x51: {  	_ =	shalt  }
0x52: {  	_ =	shalt  }
0x53: {  	_ =	shalt  }
0x54: {  	_ =	shalt  }
0x55: {  	_ =	shalt  }
0x56: {  	_ =	shalt  }
0x57: {  	_ =	shalt  }
0x58: {  	_ =	shalt  }
0x59: {  	_ =	shalt  }
0x5a: {  	_ =	shalt  }
0x5b: {  	_ =	shalt  }
0x5c: {  	_ =	shalt  }
0x5d: {  	_ =	shalt  }
0x5e: {  	_ =	shalt  }
0x5f: {  	_ =	shalt  }
0x60: {  	_ =	shalt  }
0x61: {  	_ =	shalt  }
0x62: {  	_ =	shalt  }
0x63: {  	_ =	shalt  }
0x64: {  	_ =	shalt  }
0x65: {  	_ =	shalt  }
0x66: {  	_ =	shalt  }
0x67: {  	_ =	shalt  }
0x68: {  	_ =	shalt  }
0x69: {  	_ =	shalt  }
0x6a: {  	_ =	shalt  }
0x6b: {  	_ =	shalt  }
0x6c: {  	_ =	shalt  }
0x6d: {  	_ =	shalt  }
0x6e: {  	_ =	shalt  }
0x6f: {  	_ =	shalt  }
0x70: {  	_ =	shalt  }
0x71: {  	_ =	shalt  }
0x72: {  	_ =	shalt  }
0x73: {  	_ =	shalt  }
0x74: {  	_ =	shalt  }
0x75: {  	_ =	shalt  }
0x76: {  	_ =	shalt  }
0x77: {  	_ =	shalt  }
0x78: {  	_ =	shalt  }
0x79: {  	_ =	shalt  }
0x7a: {  	_ =	shalt  }
0x7b: {  	_ =	shalt  }
0x7c: {  	_ =	shalt  }
0x7d: {  	_ =	shalt  }
0x7e: {  	_ =	shalt  }
0x7f: {  	_ =	shalt  }
0x80: {  	_ =	shalt  }
0x81: {  	_ =	shalt  }
0x82: {  	_ =	shalt  }
0x83: {  	_ =	shalt  }
0x84: {  	_ =	shalt  }
0x85: {  	_ =	shalt  }
0x86: {  	_ =	shalt  }
0x87: {  	_ =	shalt  }
.Lfunc_end0:
.L_simem_size_0:
called_computation_lowered:
.L_overlay_start_0:
0x88: {  	s2 =	sld [smem:$0x3FD9]  }
0x89: {  	s3 =	sld [smem:$0x3FFE];
	_ =	sdelay $0x1  }
0x8a: {  	s1 =	srdreg.scid  }
0x8b: {  	s0 =	sand.u32 $0x1, s1  }
0x8c: {  	s17 =	sshll.u32 s0, $0xA;
	s2 =	sadd.s32 s3, s2  }
0x8d: {  	s2 =	sadd.s32 s2, s17  }
0x8e: {  	[smem:$0x3FC6] =	sst s2  }
0x8f: {  	_ = 	snop  }
0x90: {  	s2 =	sld [smem:$0x3FD0];
	(tm) =	ssettm $0x1  }
0x91: {  	s18 =	sld [smem:$0x3FFB];
	_ =	sdelay $0x3  }
0x92: {  	_ =	strace s18  }
0x93: {  	s3 =	sld [smem:$0x3FFC];
	_ =	sdelay $0x3  }
0x94: {  	_ =	strace s3  }
0x95: {  	s3 =	sld [smem:$0x3FFD];
	_ =	sdelay $0x3  }
0x96: {  	_ =	strace s3  }
0x97: {  	_ =	strace $0x8FFFFFFF  }
0x98: {  	s19 =	sld [smem:$0x3FDB];
	_ =	sdelay $0x1  }
0x99: {  	s4 =	simm.s32 $_scs_section_size  }
0x9a: {  	s5 =	simm.s32 $_size__tile_overlayer_lowered;
	s6 =	simm.s32 $_tile_overlayer_lowered  }
0x9b: {  	s22 =	simm.s32 $0x1BFF;
	s21 =	sshll.u32 s6, $0x1;
	s3 =	sadd.s32 s4, s19  }
0x9c: {  	s7 =	simm.s32 $0x0;
	s20 =	sshll.u32 s5, $0x1;
	s5 =	sadd.s32 s21, s3  }
0x9d: {  	[timem:s7], [sflag:s22] =	dma.local [hbm:s5], s20  }
0x9e: {  	_ =	swait.ge [sflag:s22], s20  }
0x9f: {  	s4 =	ssub.s32 $0x0, s20;
	[sflag:s22] =	ssyncset.done $0x0  }
0xa0: {  	[sflag:s22] =	ssyncadd.s32 s4;
	_ =	sdelay $0x1  }
0xa1: {  	s23 =	simm.s32 $0x1B8B  }
0xa2: {  	_ =	swait.ge [sflag:s23], $0x1  }
0xa3: {  	[sflag:s23] =	ssyncset.done $0x0  }
0xa4: {  	s25 =	simm.s32 $0x1B8E;
	s24 =	sld [smem:$0x3FFE];
	[sflag:s23] =	ssyncadd.s32 $0xFFFFFFFF  }
0xa5: {  	s26 =	simm.s32 $execute0_lowered;
	[smem:$0x3FD2] =	sst s25  }
0xa6: {  	s5 =	sshll.u32 s26, $0x1;
	_ =	strace $0x80000046;
	[dreg:$0x1] =	wrdreg $0xFFFFFFFF  }
0xa7: {  	s28 =	simm.s32 $_size_execute0_lowered;
	s3 =	sadd.s32 s3, s5;
	[dreg:$0x0] =	wrdreg $0x0  }
0xa8: {  	s5 =	sshll.u32 s28, $0x1;
	[dreg:$0x2] =	wrdreg s3  }
0xa9: {  	[dreg:$0x3] =	wrdreg s5  }
0xaa: {  	[dreg:$0x4] =	wrdreg $0xC0  }
0xab: {  	_ =	task [dreg:s7], $0x5FFFF  }
0xac: {  	[dreg:$0x1] =	wrdreg $0xFFFFFFFF  }
0xad: {  	[dreg:$0x0] =	wrdreg $0x60  }
0xae: {  	[dreg:$0x2] =	wrdreg s24  }
0xaf: {  	[dreg:$0x3] =	wrdreg s2  }
0xb0: {  	[dreg:$0x4] =	wrdreg $0x0  }
0xb1: {  	[dreg:$0x5] =	wrdreg $0x100000  }
0xb2: {  	[dreg:$0x6] =	wrdreg $0x9  }
0xb3: {  	_ =	task.clear_ibuf [dreg:s7], $0x7FFFF;
	_ =	strace $0x90000046  }
0xb4: {  	s29 =	simm.s32 $0x9;
	_ =	strace $0x80000048  }
0xb5: {  	_ =	swait.ge [sflag:s29], $0x1  }
0xb6: {  	[sflag:s29] =	ssyncadd.s32 $0xFFFFFFFF  }
0xb7: {  	_ =	strace $0x90000048  }
0xb8: {  	_ =	sfence  }
0xb9: {  	s30 =	sld [smem:$0x0];
	_ =	sdelay $0x2  }
0xba: {  	s31 =	sshll.u32 s1, $0xD;
	s1 =	sshrl.u32 s1, $0x2  }
0xbb: {  	s3 =	sand.u32 $0x4000, s31;
	s1 =	sadd.s32 s1, s30  }
0xbc: {  	s0 =	sor.u32 s3, s0;
	s1 =	sshll.u32 s1, $0x11  }
0xbd: {  	s0 =	sor.u32 s1, s0  }
0xbe: {  	s0 =	sadd.s32 $0x8F2B, s0  }
0xbf: {  	[sflag:s0] =	ssyncadd.remote.s32 $0x1  }
0xc0: {  	_ =	sfence.sel $0xFFFF  }
0xc1: {  	[dreg:$0x0] =	wrdreg $0xFFFFFFFF;
	(pc) =	sbr.abs _section_cstart, $3  }
0xc2: {  	[dreg:$0x1] =	wrdreg $0xFFFFFFFF  }
0xc3: {  	_ =	task.clear_ibuf [dreg:s7], $0x2FFFF;
	_ =	strace $0x9FFFFFFF  }
0xc4: {  	(tm) =	ssettm $0x7FFFFFFF  }
0xc5: {  	_ =	shalt  }
tec
execute0_lowered:
.L_overlay_start_1:
0x0: {  	(tag) =	ssettag $0x1  }
0x1: {  	s4 =	rddreg [dreg:$0x0]  }
0x2: {  	s6 =	rddreg [dreg:$0x1]  }
0x3: {  	s1 =	srdreg.scid;
	s0 =	rddreg [dreg:$0x2]  }
0x4: {  	s12 =	stileid.u32;
	s2 =	rddreg [dreg:$0x3]  }
0x5: {  	s3 =	simm.s32 $0x0;
	s15 =	simm.f32 $0.0e+00;
	s11 =	simm.s32 $0x2  }
0x6: {  	s13 =	simm.s32 $0x10280;
	s14 =	simm.s32 $0x10400;
	s16 =	simm.s32 $0x10380  }
0x7: {  	s17 =	simm.s32 $0x1;
	s18 =	simm.s32 $0x10;
	s19 =	simm.s32 $0x10480  }
0x8: {  	s20 =	simm.s32 $0x10500;
	s5 =	sand.u32 $0x1, s1;
	s1 =	rddreg [dreg:$0x4]  }
0x9: {  	s8 =	sshll.u32 s12, $0x7;
	[smem:$0x7FF] =	sst s3;
	s31 =	sshll.u32 s12, $0x10  }
0xa: {  	p0 =	seq.s32 s12, $0xF;
	p1 =	sne.s32 s12, $0x0;
	s12 =	simm.s32 $0x80  }
0xb: {  	s7 =	sshll.u32 s5, $0x16;
	s29 =	ssub.s32 $0x2, s5;
	_ =	strace $0x80000047  }
0xc: {  	s10 =	sshll.u32 s5, $0x8;
	s5 =	sadd.s32 s31, s0;
	s15 =	simm.s32 @!p0 $0x3F800000  }
0xd: {  	s7 =	sor.u32 s8, s7;
	s30 =	sshrl.u32 s29, $0x1;
	s6 =	sadd.s32 s6, s10  }
0xe: {  	s10 =	simm.s32 $0x10580;
	v0 =	vmov s15;
	s15 =	simm.s32 $0x10300;
	s7 =	sshrl.u32 s7, $0x3  }
0xf: {  	vm0 =	vcmask $0x3B00;
	s9 =	sadd.s32 s7, s4;
	s4 =	sadd.s32 $0x600, s4;
	s7 =	ssub.s32 s29, s30  }
0x10: {  	v1 =	vimm.f32 $0.0e+00;
	v2 =	vimm.f32 $1.000000000e+00;
	v0 =	vsel vm0, $0x3F800000, v0;
	s7 =	smax.u32 s7, $0x1;
	s8 =	sadd.s32 $0x20600, s9;
	s9 =	sadd.s32 $0x120600, s9  }
.LBB2_1:
0x11: {  	s21 =	simm.s32 $0x40;
	s22 =	simm.s32 $0x0  }
.LBB2_2:
0x12: {  	p2 =	sne.s32 s21, $0x1FC0;
	[tilespmem:s22+$0x10580] =	vst v1;
	s22 =	smov.u32 s21;
	s21 =	sadd.s32 $0x40, s21  }
.Ltmp0:
0x13: {  	(pc) =	sbr.rel @p2 .LBB2_2-.Ltmp0, $2  }
0x14: {  	_ =	sdelay $0x2  }
0x15: {  	s22 =	sshra.s32 s22, $0x2  }
0x16: {  	[tilespmem:s22+$0x10580] =	vst v1  }
0x17: {  	[tilespmem:$0x10300] =	vst v2  }
0x18: {  	[tilespmem:$0x10310] =	vst v2  }
0x19: {  	[tilespmem:$0x10320] =	vst v2  }
0x1a: {  	[tilespmem:$0x10330] =	vst v2  }
0x1b: {  	[tilespmem:$0x10340] =	vst v2  }
0x1c: {  	[tilespmem:$0x10350] =	vst v2  }
0x1d: {  	[tilespmem:$0x10360] =	vst v2  }
0x1e: {  	s21 =	sadd.s32 $0x0, s5;
	[tilespmem:$0x10370] =	vst v2  }
0x1f: {  	[spmem:s21] =	stream.linear.scatter [tilespmem:s10], [sflag:$0x2], $0x800, $0x38;
	[tilespmem:$0x10D80] =	vst v63  }
0x20: {  	s21 =	simm.s32 $0x2000;
	_ =	swait.ge [sflag:s11], $0x800  }
.LBB2_4:
0x21: {  	s22 =	sshra.s32 s21, $0x2;
	[sflag:s11] =	ssyncset.done $0x0;
	p2 =	sne.s32 s21, $0x3E000  }
.Ltmp1:
0x22: {  	s22 =	sadd.s32 s22, s5;
	[sflag:s11] =	ssyncadd.s32 $0xFFFFF800;
	(pc) =	sbr.rel @p2 .LBB2_4-.Ltmp1, $3  }
0x23: {  	[spmem:s22] =	stream.linear.scatter [tilespmem:s10], [sflag:$0x2], $0x800, $0x38;
	[tilespmem:$0x10D80] =	vst v63  }
0x24: {  	s21 =	sadd.s32 $0x2000, s21;
	_ =	sdelay $0x1  }
0x25: {  	_ =	swait.ge [sflag:s11], $0x800  }
0x26: {  	[sflag:s11] =	ssyncset.done $0x0  }
0x27: {  	s21 =	simm.s32 @!p1 $0x10580;
	[sflag:s11] =	ssyncadd.s32 $0xFFFFF800  }
0x28: {  	[spmem:s2] =	stream.linear.scatter @!p1 [tilespmem:s21], [sflag:$0x2], $0x800, $0x38;
	[tilespmem:$0x10D80] =	vst v63  }
0x29: {  	s21 =	simm.s32 @!p1 $0x2  }
0x2a: {  	_ =	swait.ge @!p1 [sflag:s21], $0x800  }
0x2b: {  	[sflag:s21] =	ssyncset.done @!p1 $0x0  }
0x2c: {  	s22 =	smov.u32 s9;
	[sflag:s21] =	ssyncadd.s32 @!p1 $0xFFFFF800  }
0x2d: {  	s23 =	smov.u32 s8;
	s21 =	simm.s32 $0x0;
	[bflag:$0x0] =	sbarrier.arrive $0xFFFF  }
.LBB2_6:
0x2e: {  	s24 =	simm.s32 @p0 $0x0;
	s25 =	simm.s32 @p0 $0x10080  }
0x2f: {  	[tilespmem:s25], [sflag:$0x2] =	stream.linear.gather @p0 [hbm4b:s22+s24], $0x80, $0x38;
	[tilespmem:$0x10D80] =	vst v63  }
0x30: {  	s25 =	simm.s32 @p0 $0x2  }
0x31: {  	_ =	swait.ge @p0 [sflag:s25], $0x80  }
0x32: {  	[sflag:s25] =	ssyncset.done @p0 $0x0  }
0x33: {  	s26 =	simm.s32 @p0 $0x10180;
	[sflag:s25] =	ssyncadd.s32 @p0 $0xFFFFFF80  }
0x34: {  	[tilespmem:s26], [sflag:$0x2] =	stream.linear.gather @p0 [hbm4b:s23+s24], $0x80, $0x38;
	[tilespmem:$0x10D80] =	vst v63  }
0x35: {  	_ =	swait.ge @p0 [sflag:s25], $0x80  }
0x36: {  	[sflag:s25] =	ssyncset.done @p0 $0x0  }
0x37: {  	s24 =	simm.s32 @!p0 $0x0;
	[sflag:s25] =	ssyncadd.s32 @p0 $0xFFFFFF80;
	s25 =	simm.s32 @!p0 $0x10080  }
0x38: {  	[tilespmem:s25], [sflag:$0x2] =	stream.linear.gather @!p0 [hbm4b:s22+s24], $0x88, $0x38;
	[tilespmem:$0x10D80] =	vst v63  }
0x39: {  	s25 =	simm.s32 @!p0 $0x2  }
0x3a: {  	_ =	swait.ge @!p0 [sflag:s25], $0x88  }
0x3b: {  	[sflag:s25] =	ssyncset.done @!p0 $0x0  }
0x3c: {  	s26 =	simm.s32 @!p0 $0x10180;
	[sflag:s25] =	ssyncadd.s32 @!p0 $0xFFFFFF78  }
0x3d: {  	[tilespmem:s26], [sflag:$0x2] =	stream.linear.gather @!p0 [hbm4b:s23+s24], $0x88, $0x38;
	[tilespmem:$0x10D80] =	vst v63  }
0x3e: {  	_ =	swait.ge @!p0 [sflag:s25], $0x88  }
0x3f: {  	[sflag:s25] =	ssyncset.done @!p0 $0x0  }
0x40: {  	[sflag:s25] =	ssyncadd.s32 @!p0 $0xFFFFFF78  }
0x41: {  	v3 =	vld [tilespmem:$0x10080]  }
0x42: {  	v4 =	vld [tilespmem:$0x10180]  }
0x43: {  	v5 =	vld [tilespmem:$0x10090]  }
0x44: {  	v6 =	vld [tilespmem:$0x10190]  }
0x45: {  	v7 =	vld [tilespmem:$0x100A0]  }
0x46: {  	v8 =	vld [tilespmem:$0x101A0]  }
0x47: {  	v9 =	vld [tilespmem:$0x100B0]  }
0x48: {  	v10 =	vld [tilespmem:$0x101B0]  }
0x49: {  	v11 =	vld [tilespmem:$0x100C0]  }
0x4a: {  	v12 =	vld [tilespmem:$0x101C0]  }
0x4b: {  	v13 =	vld [tilespmem:$0x100D0]  }
0x4c: {  	v14 =	vld [tilespmem:$0x101D0]  }
0x4d: {  	v15 =	vld [tilespmem:$0x100E0];
	v3 =	vshll.u32 v3, $0xA  }
0x4e: {  	v62 =	vld [tilespmem:$0x101E0];
	v61 =	vshll.u32 v5, $0xA;
	v3 =	vadd.s32 v4, v3  }
0x4f: {  	v16 =	vld [tilespmem:$0x100F0];
	v63 =	vshll.u32 v7, $0xA;
	[tilespmem:$0x10280] =	vst v3;
	v3 =	vadd.s32 v6, v61  }
0x50: {  	v18 =	vld [tilespmem:$0x101F0];
	v17 =	vshll.u32 v9, $0xA;
	[tilespmem:$0x10290] =	vst v3;
	v3 =	vadd.s32 v8, v63  }
0x51: {  	v19 =	vshll.u32 v11, $0xA;
	[tilespmem:$0x102A0] =	vst v3;
	v3 =	vadd.s32 v10, v17  }
0x52: {  	v20 =	vshll.u32 v13, $0xA;
	[tilespmem:$0x102B0] =	vst v3;
	v3 =	vadd.s32 v12, v19  }
0x53: {  	v21 =	vshll.u32 v15, $0xA;
	[tilespmem:$0x102C0] =	vst v3;
	v3 =	vadd.s32 v14, v20  }
0x54: {  	v22 =	vshll.u32 v16, $0xA;
	[tilespmem:$0x102D0] =	vst v3;
	v3 =	vadd.s32 v62, v21  }
0x55: {  	[tilespmem:$0x102E0] =	vst v3;
	v3 =	vadd.s32 v18, v22  }
0x56: {  	[tilespmem:$0x102F0] =	vst v3  }
0x57: {  	[tilespmem:s14], [sflag:$0x1] =	stream.indirect.gather [hbm4b:s4+s12], $0x1, s13, s12, $0xb8;
	[tilespmem:$0x10D80] =	vst v63  }
0x58: {  	_ = 	snop  }
0x59: {  	[spmem:s0] =	stream.indirect.scatter.add.f32 [tilespmem:s15], [sflag:$0x2], $0x1, s13, s12, $0xb8;
	[tilespmem:$0x10D80] =	vst v63  }
0x5a: {  	_ =	swait.ge [sflag:s11], $0x80  }
0x5b: {  	[sflag:s11] =	ssyncset.done $0x0  }
0x5c: {  	[sflag:s11] =	ssyncadd.s32 $0xFFFFFF80  }
0x5d: {  	[bflag:$0x0] =	sbarrier.arrive $0xFFFF  }
0x5e: {  	[tilespmem:s16], [sflag:$0x2] =	stream.indirect.gather [spmem:s0], $0x1, s13, s12, $0xb8;
	[tilespmem:$0x10D80] =	vst v63  }
0x5f: {  	_ =	swait.ge [sflag:s11], $0x80  }
0x60: {  	[sflag:s11] =	ssyncset.done $0x0  }
0x61: {  	[sflag:s11] =	ssyncadd.s32 $0xFFFFFF80  }
0x62: {  	[bflag:$0x0] =	sbarrier.arrive $0xFFFF  }
0x63: {  	[spmem:s0] =	stream.indirect.scatter [tilespmem:s10], [sflag:$0x2], $0x1, s13, s12, $0xb8;
	[tilespmem:$0x10D80] =	vst v63  }
0x64: {  	_ =	swait.ge [sflag:s11], $0x80  }
0x65: {  	[sflag:s11] =	ssyncset.done $0x0  }
0x66: {  	[sflag:s11] =	ssyncadd.s32 $0xFFFFFF80  }
0x67: {  	_ =	swait.ge [sflag:s17], $0x80  }
0x68: {  	[sflag:s17] =	ssyncset.done $0x0  }
0x69: {  	[sflag:s17] =	ssyncadd.s32 $0xFFFFFF80  }
0x6a: {  	v3 =	vld [tilespmem:$0x10380];
	_ =	sdelay $0x3  }
0x6b: {  	v23 =	vld [tilespmem:$0x10080]  }
0x6c: {  	v24 =	vld [tilespmem:$0x10390];
	(erf) = vrcp.f32 v3  }
0x6d: {  	v25 =	vld [tilespmem:$0x10180]  }
0x6e: {  	v26 =	vld [tilespmem:$0x10081]  }
0x6f: {  	v27 =	vld [tilespmem:$0x10181]  }
0x70: {  	v28 =	vld [tilespmem:$0x10400]  }
0x71: {  	v29 =	vld [tilespmem:$0x10090]  }
0x72: {  	v30 =	vld [tilespmem:$0x103A0];
	(erf) = vrcp.f32 v24  }
0x73: {  	v31 =	vld [tilespmem:$0x10190]  }
0x74: {  	v32 =	vld [tilespmem:$0x10091]  }
0x75: {  	v35 =	vld [tilespmem:$0x10191];
	vm0 =	vge.f32 v3, $2.000000000e+00;
	v4 =	vsub.s32 v26, v23;
	v6 =	vsub.s32 v27, v25;
	v3 =	vpop (erf)  }
0x76: {  	v37 =	vld [tilespmem:$0x10410];
	v33 =	vsub.s32 $0x0, v4;
	v34 =	vsub.s32 $0x0, v6;
	v3 =	vmul.f32 $2.000000030e-01, v3  }
0x77: {  	v38 =	vld [tilespmem:$0x100A0];
	v36 =	vadd.f32 $0.0e+00, v28;
	v4 =	vmin.u32 v4, v33;
	v6 =	vmin.u32 v6, v34  }
0x78: {  	v39 =	vld [tilespmem:$0x103B0];
	v4 =	vadd.s32 v4, v6;
	(erf) = vrcp.f32 v30;
	v3 =	vnsel vm0, $0x0, v3  }
0x79: {  	v41 =	vld [tilespmem:$0x101A0];
	vm14 =	vgt.s32 v4, $0x1;
	v3 =	vsub.f32 v36, v3  }
0x7a: {  	v44 =	vld [tilespmem:$0x100A1];
	v7 =	vsub.s32 v32, v29;
	v40 =	vsel vm14, $0x3F000000, v1  }
0x7b: {  	v46 =	vld [tilespmem:$0x101A1];
	v12 =	vsub.s32 v35, v31;
	vm15 =	vge.f32 v24, $2.000000000e+00;
	v42 =	vpop (erf);
	v3 =	vsub.f32 v3, v40  }
0x7c: {  	v48 =	vld [tilespmem:$0x10420];
	v43 =	vsub.s32 $0x0, v7;
	v45 =	vsub.s32 $0x0, v12;
	v8 =	vmul.f32 $2.000000030e-01, v42  }
0x7d: {  	v50 =	vld [tilespmem:$0x100B0];
	v7 =	vmin.u32 v7, v43;
	v47 =	vmin.u32 v12, v45;
	v3 =	vadd.f32 v3, v37  }
0x7e: {  	v51 =	vld [tilespmem:$0x103C0];
	v5 =	vadd.s32 v7, v47;
	(erf) = vrcp.f32 v39;
	v49 =	vnsel vm15, $0x0, v8  }
0x7f: {  	v53 =	vld [tilespmem:$0x101B0];
	vm4 =	vgt.s32 v5, $0x1;
	v3 =	vsub.f32 v3, v49  }
0x80: {  	v56 =	vld [tilespmem:$0x100B1];
	v10 =	vsub.s32 v46, v41;
	v52 =	vsel vm4, $0x3F000000, v1  }
0x81: {  	v58 =	vld [tilespmem:$0x101B1];
	vm5 =	vge.f32 v30, $2.000000000e+00;
	v6 =	vsub.s32 v44, v38;
	v54 =	vpop (erf);
	v3 =	vsub.f32 v3, v52  }
0x82: {  	v59 =	vld [tilespmem:$0x10430];
	v57 =	vsub.s32 $0x0, v10;
	v55 =	vsub.s32 $0x0, v6;
	v7 =	vmul.f32 $2.000000030e-01, v54  }
0x83: {  	v60 =	vld [tilespmem:$0x100C0];
	v10 =	vmin.u32 v10, v57;
	v6 =	vmin.u32 v6, v55;
	v3 =	vadd.f32 v3, v48  }
0x84: {  	v61 =	vld [tilespmem:$0x103D0];
	v6 =	vadd.s32 v6, v10;
	(erf) = vrcp.f32 v51;
	v7 =	vnsel vm5, $0x0, v7  }
0x85: {  	v63 =	vld [tilespmem:$0x101C0];
	vm6 =	vgt.s32 v6, $0x1;
	v3 =	vsub.f32 v3, v7  }
0x86: {  	v20 =	vld [tilespmem:$0x100C1];
	vm7 =	vge.f32 v39, $2.000000000e+00;
	v62 =	vsel vm6, $0x3F000000, v1  }
0x87: {  	v22 =	vld [tilespmem:$0x101C1];
	v12 =	vsub.s32 v58, v53;
	v8 =	vsub.s32 v56, v50;
	v18 =	vpop (erf);
	v3 =	vsub.f32 v3, v62  }
0x88: {  	v25 =	vld [tilespmem:$0x100D0];
	v21 =	vsub.s32 $0x0, v12;
	v19 =	vsub.s32 $0x0, v8;
	v7 =	vmul.f32 $2.000000030e-01, v18  }
0x89: {  	v26 =	vld [tilespmem:$0x103E0];
	v23 =	vmin.u32 v12, v21;
	v8 =	vmin.u32 v8, v19;
	v3 =	vadd.f32 v3, v59  }
0x8a: {  	v24 =	vld [tilespmem:$0x10440];
	v4 =	vadd.s32 v8, v23;
	(erf) = vrcp.f32 v61;
	v7 =	vnsel vm7, $0x0, v7  }
0x8b: {  	v28 =	vld [tilespmem:$0x101D0];
	vm8 =	vgt.s32 v4, $0x1;
	v3 =	vsub.f32 v3, v7  }
0x8c: {  	v11 =	vsub.s32 v22, v63;
	v31 =	vld [tilespmem:$0x100D1];
	v27 =	vsel vm8, $0x3F000000, v1  }
0x8d: {  	vm9 =	vge.f32 v51, $2.000000000e+00;
	v35 =	vld [tilespmem:$0x10450];
	v10 =	vsub.s32 v20, v60;
	v29 =	vpop (erf);
	v3 =	vsub.f32 v3, v27  }
0x8e: {  	v32 =	vsub.s32 $0x0, v11;
	v33 =	vld [tilespmem:$0x101D1];
	v30 =	vsub.s32 $0x0, v10;
	v7 =	vmul.f32 $2.000000030e-01, v29  }
0x8f: {  	v46 =	vld [tilespmem:$0x101E1];
	v34 =	vmin.u32 v11, v32;
	v10 =	vmin.u32 v10, v30;
	v3 =	vadd.f32 v3, v24  }
0x90: {  	v44 =	vld [tilespmem:$0x100E1];
	v5 =	vadd.s32 v10, v34;
	(erf) = vrcp.f32 v26;
	v7 =	vnsel vm9, $0x0, v7  }
0x91: {  	v39 =	vld [tilespmem:$0x103F0];
	vm10 =	vgt.s32 v5, $0x1;
	v3 =	vsub.f32 v3, v7  }
0x92: {  	vm11 =	vge.f32 v61, $2.000000000e+00;
	v47 =	vld [tilespmem:$0x100F0];
	v38 =	vsel vm10, $0x3F000000, v1  }
0x93: {  	v12 =	vsub.s32 v33, v28;
	v42 =	vld [tilespmem:$0x101E0];
	v8 =	vsub.s32 v31, v25;
	v40 =	vpop (erf);
	v3 =	vsub.f32 v3, v38  }
0x94: {  	v43 =	vsub.s32 $0x0, v12;
	v37 =	vld [tilespmem:$0x100E0];
	v41 =	vsub.s32 $0x0, v8;
	v7 =	vmul.f32 $2.000000030e-01, v40  }
0x95: {  	v45 =	vmin.u32 v12, v43;
	v36 =	vld [tilespmem:$0x10460];
	v8 =	vmin.u32 v8, v41;
	v3 =	vadd.f32 v3, v35  }
0x96: {  	v50 =	vld [tilespmem:$0x100F1];
	v6 =	vadd.s32 v8, v45;
	(erf) = vrcp.f32 v39;
	v7 =	vnsel vm11, $0x0, v7  }
0x97: {  	vm12 =	vgt.s32 v6, $0x1;
	v52 =	vld [tilespmem:$0x101F1];
	v3 =	vsub.f32 v3, v7  }
0x98: {  	vm13 =	vge.f32 v26, $2.000000000e+00;
	v49 =	vsel vm12, $0x3F000000, v1;
	v48 =	vld [tilespmem:$0x101F0]  }
0x99: {  	v53 =	vsub.s32 v46, v42;
	v5 =	vsub.s32 v44, v37;
	v51 =	vpop (erf);
	v3 =	vsub.f32 v3, v49  }
0x9a: {  	v56 =	vsub.s32 $0x0, v53;
	v55 =	vsub.s32 $0x0, v5;
	v54 =	vmul.f32 $2.000000030e-01, v51  }
0x9b: {  	v5 =	vmin.u32 v5, v55;
	v7 =	vmin.u32 v53, v56;
	v3 =	vadd.f32 v3, v36  }
0x9c: {  	v57 =	vld [tilespmem:$0x10470];
	v58 =	vsub.s32 v50, v47;
	v9 =	vnsel vm13, $0x0, v54;
	v5 =	vadd.s32 v5, v7  }
0x9d: {  	v4 =	vsub.s32 v52, v48;
	vm14 =	vgt.s32 v5, $0x1;
	v3 =	vsub.f32 v3, v9  }
0x9e: {  	v8 =	vsub.s32 $0x0, v58;
	v60 =	vsub.s32 $0x0, v4;
	v59 =	vsel vm14, $0x3F000000, v1  }
0x9f: {  	v4 =	vmin.u32 v4, v60;
	v61 =	vpop (erf);
	v5 =	vmin.u32 v58, v8;
	v3 =	vsub.f32 v3, v59  }
0xa0: {  	v62 =	vmul.f32 $2.000000030e-01, v61;
	v4 =	vadd.s32 v5, v4  }
0xa1: {  	vm15 =	vge.f32 v39, $2.000000000e+00;
	vm1 =	vgt.s32 v4, $0x1;
	v3 =	vadd.f32 v3, v57  }
0xa2: {  	v5 =	vnsel vm15, $0x0, v62;
	v4 =	vsel vm1, $0x3F000000, v1  }
0xa3: {  	v4 =	vmul.f32 v4, v0;
	v3 =	vsub.f32 v3, v5;
	_ =	sdelay $0x1  }
0xa4: {  	v63 =	vmov s21;
	v3 =	vsub.f32 v3, v4  }
0xa5: {  	s21 =	sadd.s32 $0x1, s21;
	[tilespmem:$0x10480] =	vst v63  }
0xa6: {  	p2 =	sne.s32 s21, $0x800;
	[tilespmem:$0x10500] =	vst v3  }
0xa7: {  	[spmem:s2] =	stream.indirect.scatter.add.f32 [tilespmem:s20], [sflag:$0x2], $0x1, s19, s18, $0xb8;
	[tilespmem:$0x10D80] =	vst v63  }
.Ltmp2:
0xa8: {  	_ =	swait.ge [sflag:s11], $0x10;
	(pc) =	sbr.rel @p2 .LBB2_6-.Ltmp2, $4  }
0xa9: {  	[sflag:s11] =	ssyncset.done $0x0  }
0xaa: {  	[sflag:s11] =	ssyncadd.s32 $0xFFFFFFF0  }
0xab: {  	[bflag:$0x0] =	sbarrier.arrive $0xFFFF  }
0xac: {  	s22 =	sadd.s32 $0x100, s22;
	s23 =	sadd.s32 $0x100, s23  }
0xad: {  	s21 =	sshrl.u32 @!p1 s2, $0x3;
	s22 =	simm.s32 @!p1 $0x1C02;
	s3 =	sadd.s32 $0x1, s3  }
0xae: {  	[hbm:s6], [sflag:s22] =	dma.local @!p1 [spmem:s21], $0x100  }
0xaf: {  	p2 =	sne.s32 s3, s7  }
.Ltmp3:
0xb0: {  	_ = 	snop;
	(pc) =	sbr.rel @p2 .LBB2_1-.Ltmp3, $4  }
0xb1: {  	s21 =	simm.s32 @!p1 $0x2  }
0xb2: {  	_ =	swait.ge @!p1 [sflag:s21], $0x100  }
0xb3: {  	[sflag:s21] =	ssyncset.done @!p1 $0x0  }
0xb4: {  	[sflag:s21] =	ssyncadd.s32 @!p1 $0xFFFFFF00  }
0xb5: {  	_ =	sfence.sel $0x180000  }
0xb6: {  	[bflag:$0x0] =	sbarrier.arrive $0xFFFF  }
0xb7: {  	_ =	strace $0x90000047  }
0xb8: {  	s0 =	sadd.s32 @!p1 $0x100000, s1;
	[bflag:$0x2] =	sbarrier.arrive $0xFFFF  }
0xb9: {  	[sflag:s0] =	ssyncadd.tile.s32 @!p1 $0x1;
	_ =	shalt  }
.Lfunc_end2:
_tile_overlayer_lowered:
.L_overlay_start_2:
0xba: {  	(tag) =	ssettag $0x2  }
0xbb: {  	s0 =	rddreg [dreg:$0x0];
	s2 =	stileid.u32  }
0xbc: {  	s1 =	rddreg [dreg:$0x1];
	p0 =	sne.s32 s2, $0x0  }
0xbd: {  	s3 =	rddreg [dreg:$0x2];
	[bflag:$0x3] =	sbarrier.arrive $0xFFFF;
	s2 =	simm.s32 @!p0 $0x1C02  }
0xbe: {  	[timem:s3], [sflag:s2] =	dma.local @!p0 [hbm:s0], s1  }
0xbf: {  	s0 =	simm.s32 @!p0 $0x2  }
0xc0: {  	_ =	swait.ge @!p0 [sflag:s0], s1  }
0xc1: {  	s1 =	ssub.s32 @!p0 $0x0, s1;
	[sflag:s0] =	ssyncset.done @!p0 $0x0  }
0xc2: {  	[sflag:s0] =	ssyncadd.s32 @!p0 s1  }
0xc3: {  	[bflag:$0x3] =	sbarrier.arrive $0xFFFF  }
0xc4: {  	_ =	shalt  }

</sc_bundles>
